<compile_context>
chip_gen: v7x
topology: tpu7x:2x2x1
jax: 0.10.2.dev20260603
libtpu: 0.0.44.dev20260713+nightly
codegen_flags: <defaults>
</compile_context>

<pallas_src>
import functools

import jax
import jax.numpy as jnp
from jax import lax
from jax.experimental import pallas as pl
from jax.experimental.pallas import tpu as pltpu
from jax.experimental.pallas import tpu_sc as plsc

EPS = 1e-5



def _prep_body(x_ref, wul_ref, wuh_ref, wvl_ref, wvh_ref, bl_ref, bh_ref,
               ul_ref, uh_ref, vp_ref, su_ref):
    xb = x_ref[0]
    dn = (((0,), (0,)), ((), ()))

    def mm(w_ref):
        return lax.dot_general(xb, w_ref[...], dn,
                               preferred_element_type=jnp.float32)

    ul = mm(wul_ref) + bl_ref[...]
    uh = mm(wuh_ref) + bh_ref[...]
    ul_ref[...] = ul
    uh_ref[...] = uh
    vlo = mm(wvl_ref).astype(jnp.bfloat16)
    vhi = mm(wvh_ref).astype(jnp.bfloat16)
    lo32 = lax.bitcast_convert_type(vlo, jnp.uint16).astype(jnp.uint32)
    hi32 = lax.bitcast_convert_type(vhi, jnp.uint16).astype(jnp.uint32)
    vp_ref[...] = lax.bitcast_convert_type(
        lo32 | (hi32 << jnp.uint32(16)), jnp.int32)
    su_ref[...] = jnp.stack([
        jnp.sum(ul, axis=0), jnp.sum(ul * ul, axis=0),
        jnp.sum(uh, axis=0), jnp.sum(uh * uh, axis=0)], axis=0)


def _tc_prep(x3, wu_lo, wu_hi, wv_lo, wv_hi, b_lo, b_hi):
    _, c, n = x3.shape
    d = wu_lo.shape[1]
    h = d // 2
    one = lambda i: (0, 0)
    one3 = lambda i: (0, 0, 0)
    return pl.pallas_call(
        _prep_body,
        grid=(1,),
        in_specs=[
            pl.BlockSpec((1, c, n), one3),
            pl.BlockSpec((c, d), one),
            pl.BlockSpec((c, d), one),
            pl.BlockSpec((c, h), one),
            pl.BlockSpec((c, h), one),
            pl.BlockSpec((1, d), one),
            pl.BlockSpec((1, d), one),
        ],
        out_specs=[
            pl.BlockSpec((n, d), one),
            pl.BlockSpec((n, d), one),
            pl.BlockSpec((n, h), one),
            pl.BlockSpec((4, d), one),
        ],
        out_shape=[
            jax.ShapeDtypeStruct((n, d), jnp.float32),
            jax.ShapeDtypeStruct((n, d), jnp.float32),
            jax.ShapeDtypeStruct((n, h), jnp.int32),
            jax.ShapeDtypeStruct((4, d), jnp.float32),
        ],
    )(x3, wu_lo, wu_hi, wv_lo, wv_hi, b_lo, b_hi)



_SC_CORES = 2
_SC_SUBCORES = 16
_NW = _SC_CORES * _SC_SUBCORES


def _sc_gather(v_packed, idx_flat):
    n_edges = idx_flat.shape[0]
    d = v_packed.shape[1]
    per_w = n_edges // _NW
    ch = 80 if per_w % 80 == 0 else 40
    n_ch = per_w // ch
    nbuf = 4
    n_quads = n_ch // nbuf
    tail = n_ch - n_quads * nbuf
    mesh = plsc.VectorSubcoreMesh(core_axis_name="c", subcore_axis_name="s")

    @functools.partial(
        pl.kernel,
        mesh=mesh,
        compiler_params=pltpu.CompilerParams(use_tc_tiling_on_sc=False),
        out_type=jax.ShapeDtypeStruct((n_edges, d), jnp.int32),
        scratch_types=[
            pltpu.VMEM((per_w,), jnp.int32),
        ] + [pltpu.VMEM((ch, d), jnp.int32) for _ in range(nbuf)]
          + [pltpu.SemaphoreType.DMA] * (2 * nbuf + 1),
    )
    def gather_kernel(table_hbm, idx_hbm, out_hbm, idx_all, *rest):
        bufs = rest[:nbuf]
        gsems = rest[nbuf:2 * nbuf]
        wsems = rest[2 * nbuf:3 * nbuf]
        semi = rest[3 * nbuf]
        wid = lax.axis_index("s") * _SC_CORES + lax.axis_index("c")
        base = wid * per_w
        pltpu.async_copy(idx_hbm.at[pl.ds(base, per_w)], idx_all, semi).wait()

        def gat(c, j):
            return pltpu.make_async_copy(
                table_hbm.at[idx_all.at[pl.ds(c * ch, ch)]], bufs[j], gsems[j])

        def wrb(c, j):
            return pltpu.make_async_copy(
                bufs[j], out_hbm.at[pl.ds(base + c * ch, ch)], wsems[j])

        for j in range(nbuf):
            gat(j, j).start()

        @pl.loop(0, n_quads)
        def _(p):
            c = p * nbuf
            for j in range(nbuf):
                gat(c + j, j).wait()
                wrb(c + j, j).start()
            for j in range(nbuf):
                nxt = c + j + nbuf

                @pl.when(nxt < n_ch)
                def _(j=j, nxt=nxt):
                    wrb(c + j, j).wait()
                    gat(nxt, j).start()

        c0 = n_quads * nbuf
        for j in range(tail):
            gat(c0 + j, j).wait()
            wrb(c0 + j, j).start()
        for j in range(tail):
            wrb(c0 + j, j).wait()
        if n_quads > 0:
            for j in range(tail, nbuf):
                wrb(c0 - nbuf + j, j).wait()

    return gather_kernel(v_packed, idx_flat)


def _unpack(y32):
    lo = lax.bitcast_convert_type(lax.shift_left(y32, 16), jnp.float32)
    hi = lax.bitcast_convert_type(
        jnp.bitwise_and(y32, jnp.int32(-65536)), jnp.float32)
    return lo, hi




def _stats1_body(y_ref, ul_ref, uh_ref, s_ref, *, nb, kp):
    i = pl.program_id(0)

    @pl.when(i == 0)
    def _():
        s_ref[...] = jnp.zeros_like(s_ref)

    lo, hi = _unpack(y_ref[...])
    d = ul_ref.shape[-1]
    slo = jnp.sum(lo.reshape(nb, kp, d), axis=1)
    shi = jnp.sum(hi.reshape(nb, kp, d), axis=1)
    s_ref[...] += jnp.stack([
        jnp.sum(slo, axis=0),
        jnp.sum(lo * lo, axis=0),
        jnp.sum(ul_ref[...] * slo, axis=0),
        jnp.sum(shi, axis=0),
        jnp.sum(hi * hi, axis=0),
        jnp.sum(uh_ref[...] * shi, axis=0),
    ], axis=0)


def _tc_stats1(y0p, u_lo, u_hi, k, n_nodes, off=0, nb=400):
    d = u_lo.shape[1]
    grid = n_nodes // nb
    kp = k // 2
    rb = nb * kp
    ob = off // nb
    return pl.pallas_call(
        functools.partial(_stats1_body, nb=nb, kp=kp),
        grid=(grid,),
        in_specs=[
            pl.BlockSpec((rb, d), lambda i: (i, 0)),
            pl.BlockSpec((nb, d), lambda i: (i + ob, 0)),
            pl.BlockSpec((nb, d), lambda i: (i + ob, 0)),
        ],
        out_specs=pl.BlockSpec((6, d), lambda i: (0, 0)),
        out_shape=jax.ShapeDtypeStruct((6, d), jnp.float32),
    )(y0p, u_lo, u_hi)




def _main_body(y_ref, ul_ref, uh_ref, al_ref, cl_ref, ah_ref, ch_ref,
               wlo_ref, whi_ref, b2_ref, mx_ref, s_ref, *, nb, kp):
    i = pl.program_id(0)

    @pl.when(i == 0)
    def _():
        s_ref[...] = jnp.zeros_like(s_ref)

    lo, hi = _unpack(y_ref[...])
    d = ul_ref.shape[-1]
    al = al_ref[...]
    ah = ah_ref[...]
    gl = al * ul_ref[...] + cl_ref[...]
    gh = ah * uh_ref[...] + ch_ref[...]
    ylo = jnp.maximum(lo.reshape(nb, kp, d) * al[:, None, :]
                      + gl[:, None, :], 0.0)
    yhi = jnp.maximum(hi.reshape(nb, kp, d) * ah[:, None, :]
                      + gh[:, None, :], 0.0)
    dn = (((1,), (0,)), ((), ()))
    h2p = (lax.dot_general(ylo.reshape(nb * kp, d), wlo_ref[...], dn,
                           preferred_element_type=jnp.float32)
           + lax.dot_general(yhi.reshape(nb * kp, d), whi_ref[...], dn,
                             preferred_element_type=jnp.float32))
    h2p = h2p + b2_ref[...]
    s_ref[...] += jnp.stack([jnp.sum(h2p, axis=0),
                             jnp.sum(h2p * h2p, axis=0)], axis=0)
    mx_ref[...] = jnp.max(h2p.reshape(nb, kp, 2 * d), axis=1)


def _tc_main(y0p, u_lo, u_hi, a_lo, c_lo, a_hi, c_hi, wlo, whi, b2p, k,
             n_nodes, off=0, nb=400):
    d = u_lo.shape[1]
    grid = n_nodes // nb
    kp = k // 2
    rb = nb * kp
    ob = off // nb
    one = lambda i: (0, 0)
    row = lambda i: (i, 0)
    rowo = lambda i: (i + ob, 0)
    return pl.pallas_call(
        functools.partial(_main_body, nb=nb, kp=kp),
        grid=(grid,),
        in_specs=[
            pl.BlockSpec((rb, d), row),
            pl.BlockSpec((nb, d), rowo),
            pl.BlockSpec((nb, d), rowo),
            pl.BlockSpec((1, d), one),
            pl.BlockSpec((1, d), one),
            pl.BlockSpec((1, d), one),
            pl.BlockSpec((1, d), one),
            pl.BlockSpec((d, 2 * d), one),
            pl.BlockSpec((d, 2 * d), one),
            pl.BlockSpec((1, 2 * d), one),
        ],
        out_specs=[
            pl.BlockSpec((nb, 2 * d), row),
            pl.BlockSpec((2, 2 * d), one),
        ],
        out_shape=[
            jax.ShapeDtypeStruct((n_nodes, 2 * d), jnp.float32),
            jax.ShapeDtypeStruct((2, 2 * d), jnp.float32),
        ],
    )(y0p, u_lo, u_hi, a_lo, c_lo, a_hi, c_hi, wlo, whi, b2p)




def _final_body(mx_ref, a2_ref, c2_ref, o_ref):
    d = a2_ref.shape[-1]
    mxp = mx_ref[...]
    mx = jnp.maximum(mxp[:, :d], mxp[:, d:])
    r = jnp.maximum(a2_ref[...] * mx + c2_ref[...], 0.0)
    o_ref[0] = r.T


def _tc_final(mxp, a2, c2):
    n, d2 = mxp.shape
    d = d2 // 2
    one = lambda i: (0, 0)
    return pl.pallas_call(
        _final_body,
        grid=(1,),
        in_specs=[
            pl.BlockSpec((n, d2), one),
            pl.BlockSpec((1, d), one),
            pl.BlockSpec((1, d), one),
        ],
        out_specs=pl.BlockSpec((1, d, n), lambda i: (0, 0, 0)),
        out_shape=jax.ShapeDtypeStruct((1, d, n), jnp.float32),
    )(mxp, a2, c2)




def _dup(z):
    return jnp.concatenate([z, z])[None, :]


@jax.jit
def kernel(x, idx, W1, b1, g1, be1, W2, b2, g2, be2):
    b, c, n = x.shape
    k = idx.shape[-1]
    out_ch = W1.shape[0]
    h = out_ch // 2
    count = jnp.float32(b * n * k)

    w1a = W1[:, :c]
    w1b = W1[:, c:]
    wu = (w1a - w1b).T
    wv = w1b.T
    wu_lo = jnp.concatenate([wu[:, :h], wu[:, :h]], axis=1)
    wu_hi = jnp.concatenate([wu[:, h:], wu[:, h:]], axis=1)

    u_lo, u_hi, v_packed, su = _tc_prep(
        x, wu_lo, wu_hi, wv[:, :h], wv[:, h:],
        _dup(b1[:h]), _dup(b1[h:]))

    idx_flat = idx.reshape(-1)
    n_a = 6400
    e_a = n_a * k
    y0a = _sc_gather(v_packed, idx_flat[:e_a])
    y0b = _sc_gather(v_packed, idx_flat[e_a:])
    y0pa = y0a.reshape(e_a // 2, out_ch)
    y0pb = y0b.reshape((n * k - e_a) // 2, out_ch)

    spa = _tc_stats1(y0pa, u_lo, u_hi, k, n_a)
    spb = _tc_stats1(y0pb, u_lo, u_hi, k, n - n_a, off=n_a)
    sp = spa + spb
    sv = jnp.concatenate([sp[0, :h] + sp[0, h:], sp[3, :h] + sp[3, h:]])
    sv2 = jnp.concatenate([sp[1, :h] + sp[1, h:], sp[4, :h] + sp[4, h:]])
    suv = jnp.concatenate([sp[2, :h] + sp[2, h:], sp[5, :h] + sp[5, h:]])
    su_f = jnp.concatenate([su[0, :h], su[2, :h]])
    su2_f = jnp.concatenate([su[1, :h], su[3, :h]])
    kf = jnp.float32(k)
    mean1 = (sv + kf * su_f) / count
    var1 = (sv2 + 2.0 * suv + kf * su2_f) / count - mean1 * mean1
    a1 = g1 * lax.rsqrt(var1 + EPS)
    c1 = be1 - a1 * mean1

    w2t = W2.T
    zer = jnp.zeros((h, out_ch), jnp.float32)
    wlo = jnp.concatenate([
        jnp.concatenate([w2t[:h], zer], axis=1),
        jnp.concatenate([zer, w2t[:h]], axis=1)], axis=0)
    whi = jnp.concatenate([
        jnp.concatenate([w2t[h:], zer], axis=1),
        jnp.concatenate([zer, w2t[h:]], axis=1)], axis=0)

    bn1 = (_dup(a1[:h]), _dup(c1[:h]), _dup(a1[h:]), _dup(c1[h:]))
    mxpa, s2pa = _tc_main(y0pa, u_lo, u_hi, *bn1, wlo, whi, _dup(b2), k, n_a)
    mxpb, s2pb = _tc_main(y0pb, u_lo, u_hi, *bn1, wlo, whi, _dup(b2), k,
                          n - n_a, off=n_a)
    s2p = s2pa + s2pb
    mxp = jnp.concatenate([mxpa, mxpb], axis=0)

    stats2 = s2p[:, :out_ch] + s2p[:, out_ch:]
    mean2 = stats2[0] / count
    var2 = stats2[1] / count - mean2 * mean2
    a2 = g2 * lax.rsqrt(var2 + EPS)
    c2 = be2 - a2 * mean2

    return _tc_final(mxp, a2[None, :], c2[None, :])

# --- scband reference (transcript-rebuilt; emitter-appended) ---
"""Pipeline reference for scband-edge-conv-33998961115201 (READ-ONLY COPY).

The authoritative reference and input builder live on the scoring server;
editing this copy changes nothing except your own understanding.
"""

import jax, jax.numpy as jnp
import numpy as np

B, C, N, K, OUT = 1, 128, 10000, 32, 128
EPS = 1e-5


def setup_inputs(seed: int = 0) -> dict:
    key = jax.random.key(seed)
    ks = jax.random.split(key, 8)
    x = jax.random.normal(ks[0], (B, C, N), dtype=jnp.float32)
    idx = jax.random.randint(ks[1], (B, N, K), 0, N, dtype=jnp.int32)
    # Conv2d(2C -> OUT, kernel 1): weight (OUT, 2C), bias (OUT,)
    W1 = jax.random.normal(ks[2], (OUT, 2 * C), dtype=jnp.float32) / np.sqrt(2.0 * C)
    b1 = jnp.zeros((OUT,), dtype=jnp.float32)
    g1 = jnp.ones((OUT,), dtype=jnp.float32)
    be1 = jnp.zeros((OUT,), dtype=jnp.float32)
    # Conv2d(OUT -> OUT, kernel 1)
    W2 = jax.random.normal(ks[3], (OUT, OUT), dtype=jnp.float32) / np.sqrt(float(OUT))
    b2 = jnp.zeros((OUT,), dtype=jnp.float32)
    g2 = jnp.ones((OUT,), dtype=jnp.float32)
    be2 = jnp.zeros((OUT,), dtype=jnp.float32)
    return {"x": x, "idx": idx, "W1": W1, "b1": b1, "g1": g1, "be1": be1,
            "W2": W2, "b2": b2, "g2": g2, "be2": be2}


def _bn_train(h, gamma, beta):
    # BatchNorm2d in training mode: biased batch stats over (B, N, k)
    mean = jnp.mean(h, axis=(0, 2, 3), keepdims=True)
    var = jnp.var(h, axis=(0, 2, 3), keepdims=True)
    hn = (h - mean) / jnp.sqrt(var + EPS)
    return gamma[None, :, None, None] * hn + beta[None, :, None, None]


def _conv1x1(h, W, b):
    # h: (B, Cin, N, k), W: (Cout, Cin)
    out = jnp.einsum('oc,bcnk->bonk', W, h)
    return out + b[None, :, None, None]


def reference(x, idx, W1, b1, g1, be1, W2, b2, g2, be2):
    Bb, Cc, Nn = x.shape
    k = idx.shape[-1]
    # index_points: gather neighbor features x_j[b,c,n,j] = x[b,c,idx[b,n,j]]
    idx_e = jnp.broadcast_to(idx[:, None, :, :], (Bb, Cc, Nn, k))
    x_e = jnp.broadcast_to(x[:, :, :, None], (Bb, Cc, Nn, k))
    x_j = jnp.take_along_axis(x_e, idx_e, axis=2)
    x_i = jnp.broadcast_to(x[:, :, :, None], (Bb, Cc, Nn, k))
    e_ij = jnp.concatenate([x_i, x_j - x_i], axis=1)  # (B, 2C, N, k)
    h = _conv1x1(e_ij, W1, b1)
    h = jax.nn.relu(_bn_train(h, g1, be1))
    h = _conv1x1(h, W2, b2)
    h = jax.nn.relu(_bn_train(h, g2, be2))
    out = jnp.max(h, axis=-1)  # (B, OUT, N)
    return out

if __name__ == "__main__":
    import jax
    _d = setup_inputs()
    print(jax.jit(kernel)(*tuple(_d.values())))

</pallas_src>

<mosaic_0001>
#map = affine_map<(d0, d1) -> (0, 0)>
#map1 = affine_map<(d0, d1) -> (0)>
module attributes {stable_mosaic.version = 14 : i64} {
  func.func @gather_kernel(%arg0: i32, %arg1: i32, %arg2: memref<10000x64xi32, #tpu.memory_space<hbm>>, %arg3: memref<115200xi32, #tpu.memory_space<hbm>>, %arg4: memref<115200x64xi32, #tpu.memory_space<hbm>>, %arg5: memref<3600xi32, #tpu.memory_space<vmem>>, %arg6: memref<80x64xi32, #tpu.memory_space<vmem>>, %arg7: memref<80x64xi32, #tpu.memory_space<vmem>>, %arg8: memref<80x64xi32, #tpu.memory_space<vmem>>, %arg9: memref<80x64xi32, #tpu.memory_space<vmem>>, %arg10: memref<!tpu.dma_semaphore, #tpu.memory_space<semaphore_mem>>, %arg11: memref<!tpu.dma_semaphore, #tpu.memory_space<semaphore_mem>>, %arg12: memref<!tpu.dma_semaphore, #tpu.memory_space<semaphore_mem>>, %arg13: memref<!tpu.dma_semaphore, #tpu.memory_space<semaphore_mem>>, %arg14: memref<!tpu.dma_semaphore, #tpu.memory_space<semaphore_mem>>, %arg15: memref<!tpu.dma_semaphore, #tpu.memory_space<semaphore_mem>>, %arg16: memref<!tpu.dma_semaphore, #tpu.memory_space<semaphore_mem>>, %arg17: memref<!tpu.dma_semaphore, #tpu.memory_space<semaphore_mem>>, %arg18: memref<!tpu.dma_semaphore, #tpu.memory_space<semaphore_mem>>) attributes {dimension_semantics = [#tpu.dimension_semantics<core_parallel>, #tpu.dimension_semantics<subcore_parallel>], iteration_bounds = array<i64: 2, 16>, scalar_prefetch = 0 : i64, scratch_operands = 14 : i64, tpu.core_type = #tpu.core_type<sc_vector_subcore>, window_params = [{transform_indices = #map}, {transform_indices = #map1}, {transform_indices = #map}]} {
    %mul3A = arith.constant 2 : i32
    %mul3A_0 = arith.muli %arg1, %mul3A : i32
    %add3A = arith.addi %mul3A_0, %arg0 : i32
    %mul3A_1 = arith.constant 3600 : i32
    %mul3A_2 = arith.muli %add3A, %mul3A_1 : i32
    %dma_start3A = tpu.memref_slice %arg3[%mul3A_2] : memref<115200xi32, #tpu.memory_space<hbm>> -> memref<3600xi32, #tpu.memory_space<hbm>>
    %dma_start3A_3 = tpu.memref_slice %arg3[%mul3A_2] : memref<115200xi32, #tpu.memory_space<hbm>> -> memref<3600xi32, #tpu.memory_space<hbm>>
    tpu.enqueue_dma source(%dma_start3A_3 : memref<3600xi32, #tpu.memory_space<hbm>>) target(%arg5 : memref<3600xi32, #tpu.memory_space<vmem>>) target_semaphore(%arg18 : memref<!tpu.dma_semaphore, #tpu.memory_space<semaphore_mem>>)
    %dma_wait3A = tpu.memref_slice %arg3[%mul3A_2] : memref<115200xi32, #tpu.memory_space<hbm>> -> memref<3600xi32, #tpu.memory_space<hbm>>
    %dma_wait3A_4 = tpu.memref_slice %arg3[%mul3A_2] : memref<115200xi32, #tpu.memory_space<hbm>> -> memref<3600xi32, #tpu.memory_space<hbm>>
    tpu.wait_dma2 semaphore(%arg18 : memref<!tpu.dma_semaphore, #tpu.memory_space<semaphore_mem>>) src(%dma_wait3A_4 : memref<3600xi32, #tpu.memory_space<hbm>>) dst(%arg5 : memref<3600xi32, #tpu.memory_space<vmem>>)
    %dma_start3A_5 = arith.constant 0 : i32
    %dma_start3A_6 = tpu.memref_slice %arg5[%dma_start3A_5] : memref<3600xi32, #tpu.memory_space<vmem>> -> memref<80xi32, #tpu.memory_space<vmem>>
    %dma_start3A_7 = arith.constant 0 : i32
    %dma_start3A_8 = arith.constant 0 : i32
    %dma_start3A_9 = tpu.memref_slice %arg2[%dma_start3A_7, %dma_start3A_8] : memref<10000x64xi32, #tpu.memory_space<hbm>> -> memref<10000x64xi32, #tpu.memory_space<hbm>>
    tpu.enqueue_indirect_dma source(%dma_start3A_9 : memref<10000x64xi32, #tpu.memory_space<hbm>>) target(%arg6 : memref<80x64xi32, #tpu.memory_space<vmem>>) offsets(%dma_start3A_6 : memref<80xi32, #tpu.memory_space<vmem>>) semaphore(%arg10 : memref<!tpu.dma_semaphore, #tpu.memory_space<semaphore_mem>>)
    %dma_start3A_10 = arith.constant 80 : i32
    %dma_start3A_11 = tpu.memref_slice %arg5[%dma_start3A_10] : memref<3600xi32, #tpu.memory_space<vmem>> -> memref<80xi32, #tpu.memory_space<vmem>>
    %dma_start3A_12 = arith.constant 0 : i32
    %dma_start3A_13 = arith.constant 0 : i32
    %dma_start3A_14 = tpu.memref_slice %arg2[%dma_start3A_12, %dma_start3A_13] : memref<10000x64xi32, #tpu.memory_space<hbm>> -> memref<10000x64xi32, #tpu.memory_space<hbm>>
    tpu.enqueue_indirect_dma source(%dma_start3A_14 : memref<10000x64xi32, #tpu.memory_space<hbm>>) target(%arg7 : memref<80x64xi32, #tpu.memory_space<vmem>>) offsets(%dma_start3A_11 : memref<80xi32, #tpu.memory_space<vmem>>) semaphore(%arg11 : memref<!tpu.dma_semaphore, #tpu.memory_space<semaphore_mem>>)
    %dma_start3A_15 = arith.constant 160 : i32
    %dma_start3A_16 = tpu.memref_slice %arg5[%dma_start3A_15] : memref<3600xi32, #tpu.memory_space<vmem>> -> memref<80xi32, #tpu.memory_space<vmem>>
    %dma_start3A_17 = arith.constant 0 : i32
    %dma_start3A_18 = arith.constant 0 : i32
    %dma_start3A_19 = tpu.memref_slice %arg2[%dma_start3A_17, %dma_start3A_18] : memref<10000x64xi32, #tpu.memory_space<hbm>> -> memref<10000x64xi32, #tpu.memory_space<hbm>>
    tpu.enqueue_indirect_dma source(%dma_start3A_19 : memref<10000x64xi32, #tpu.memory_space<hbm>>) target(%arg8 : memref<80x64xi32, #tpu.memory_space<vmem>>) offsets(%dma_start3A_16 : memref<80xi32, #tpu.memory_space<vmem>>) semaphore(%arg12 : memref<!tpu.dma_semaphore, #tpu.memory_space<semaphore_mem>>)
    %dma_start3A_20 = arith.constant 240 : i32
    %dma_start3A_21 = tpu.memref_slice %arg5[%dma_start3A_20] : memref<3600xi32, #tpu.memory_space<vmem>> -> memref<80xi32, #tpu.memory_space<vmem>>
    %dma_start3A_22 = arith.constant 0 : i32
    %dma_start3A_23 = arith.constant 0 : i32
    %dma_start3A_24 = tpu.memref_slice %arg2[%dma_start3A_22, %dma_start3A_23] : memref<10000x64xi32, #tpu.memory_space<hbm>> -> memref<10000x64xi32, #tpu.memory_space<hbm>>
    tpu.enqueue_indirect_dma source(%dma_start3A_24 : memref<10000x64xi32, #tpu.memory_space<hbm>>) target(%arg9 : memref<80x64xi32, #tpu.memory_space<vmem>>) offsets(%dma_start3A_21 : memref<80xi32, #tpu.memory_space<vmem>>) semaphore(%arg13 : memref<!tpu.dma_semaphore, #tpu.memory_space<semaphore_mem>>)
    %scan3A = arith.constant 0 : i32
    %scan3A_25 = arith.constant 11 : i32
    %scan3A_26 = arith.addi %scan3A, %scan3A_25 : i32
    %scan3A_27 = arith.constant 1 : i32
    scf.for %scan3A_64 = %scan3A to %scan3A_26 step %scan3A_27  : i32 {
      %mul3A_65 = arith.constant 1 : i32
      %mul3A_66 = arith.muli %scan3A_64, %mul3A_65 : i32
      %add3A_67 = arith.constant 0 : i32
      %add3A_68 = arith.addi %add3A_67, %mul3A_66 : i32
      %mul3A_69 = arith.constant 4 : i32
      %mul3A_70 = arith.muli %add3A_68, %mul3A_69 : i32
      %add3A_71 = arith.constant 0 : i32
      %add3A_72 = arith.addi %mul3A_70, %add3A_71 : i32
      %mul3A_73 = arith.constant 80 : i32
      %mul3A_74 = arith.muli %add3A_72, %mul3A_73 : i32
      %dma_wait3A_75 = tpu.memref_slice %arg5[%mul3A_74] : memref<3600xi32, #tpu.memory_space<vmem>> -> memref<80xi32, #tpu.memory_space<vmem>>
      %dma_wait3A_76 = arith.constant 0 : i32
      %dma_wait3A_77 = arith.constant 0 : i32
      %dma_wait3A_78 = tpu.memref_slice %arg2[%dma_wait3A_76, %dma_wait3A_77] : memref<10000x64xi32, #tpu.memory_space<hbm>> -> memref<10000x64xi32, #tpu.memory_space<hbm>>
      tpu.wait_indirect_dma semaphore(%arg10 : memref<!tpu.dma_semaphore, #tpu.memory_space<semaphore_mem>>) src(%dma_wait3A_78 : memref<10000x64xi32, #tpu.memory_space<hbm>>) dst(%arg6 : memref<80x64xi32, #tpu.memory_space<vmem>>)
      %add3A_79 = arith.constant 0 : i32
      %add3A_80 = arith.addi %mul3A_70, %add3A_79 : i32
      %mul3A_81 = arith.constant 80 : i32
      %mul3A_82 = arith.muli %add3A_80, %mul3A_81 : i32
      %add3A_83 = arith.addi %mul3A_2, %mul3A_82 : i32
      %dma_start3A_84 = arith.constant 0 : i32
      %dma_start3A_85 = tpu.memref_slice %arg4[%add3A_83, %dma_start3A_84] : memref<115200x64xi32, #tpu.memory_space<hbm>> -> memref<80x64xi32, #tpu.memory_space<hbm>>
      %dma_start3A_86 = arith.constant 0 : i32
      %dma_start3A_87 = tpu.memref_slice %arg4[%add3A_83, %dma_start3A_86] : memref<115200x64xi32, #tpu.memory_space<hbm>> -> memref<80x64xi32, #tpu.memory_space<hbm>>
      tpu.enqueue_dma source(%arg6 : memref<80x64xi32, #tpu.memory_space<vmem>>) target(%dma_start3A_87 : memref<80x64xi32, #tpu.memory_space<hbm>>) target_semaphore(%arg14 : memref<!tpu.dma_semaphore, #tpu.memory_space<semaphore_mem>>)
      %add3A_88 = arith.constant 1 : i32
      %add3A_89 = arith.addi %mul3A_70, %add3A_88 : i32
      %mul3A_90 = arith.constant 80 : i32
      %mul3A_91 = arith.muli %add3A_89, %mul3A_90 : i32
      %dma_wait3A_92 = tpu.memref_slice %arg5[%mul3A_91] : memref<3600xi32, #tpu.memory_space<vmem>> -> memref<80xi32, #tpu.memory_space<vmem>>
      %dma_wait3A_93 = arith.constant 0 : i32
      %dma_wait3A_94 = arith.constant 0 : i32
      %dma_wait3A_95 = tpu.memref_slice %arg2[%dma_wait3A_93, %dma_wait3A_94] : memref<10000x64xi32, #tpu.memory_space<hbm>> -> memref<10000x64xi32, #tpu.memory_space<hbm>>
      tpu.wait_indirect_dma semaphore(%arg11 : memref<!tpu.dma_semaphore, #tpu.memory_space<semaphore_mem>>) src(%dma_wait3A_95 : memref<10000x64xi32, #tpu.memory_space<hbm>>) dst(%arg7 : memref<80x64xi32, #tpu.memory_space<vmem>>)
      %add3A_96 = arith.constant 1 : i32
      %add3A_97 = arith.addi %mul3A_70, %add3A_96 : i32
      %mul3A_98 = arith.constant 80 : i32
      %mul3A_99 = arith.muli %add3A_97, %mul3A_98 : i32
      %add3A_100 = arith.addi %mul3A_2, %mul3A_99 : i32
      %dma_start3A_101 = arith.constant 0 : i32
      %dma_start3A_102 = tpu.memref_slice %arg4[%add3A_100, %dma_start3A_101] : memref<115200x64xi32, #tpu.memory_space<hbm>> -> memref<80x64xi32, #tpu.memory_space<hbm>>
      %dma_start3A_103 = arith.constant 0 : i32
      %dma_start3A_104 = tpu.memref_slice %arg4[%add3A_100, %dma_start3A_103] : memref<115200x64xi32, #tpu.memory_space<hbm>> -> memref<80x64xi32, #tpu.memory_space<hbm>>
      tpu.enqueue_dma source(%arg7 : memref<80x64xi32, #tpu.memory_space<vmem>>) target(%dma_start3A_104 : memref<80x64xi32, #tpu.memory_space<hbm>>) target_semaphore(%arg15 : memref<!tpu.dma_semaphore, #tpu.memory_space<semaphore_mem>>)
      %add3A_105 = arith.constant 2 : i32
      %add3A_106 = arith.addi %mul3A_70, %add3A_105 : i32
      %mul3A_107 = arith.constant 80 : i32
      %mul3A_108 = arith.muli %add3A_106, %mul3A_107 : i32
      %dma_wait3A_109 = tpu.memref_slice %arg5[%mul3A_108] : memref<3600xi32, #tpu.memory_space<vmem>> -> memref<80xi32, #tpu.memory_space<vmem>>
      %dma_wait3A_110 = arith.constant 0 : i32
      %dma_wait3A_111 = arith.constant 0 : i32
      %dma_wait3A_112 = tpu.memref_slice %arg2[%dma_wait3A_110, %dma_wait3A_111] : memref<10000x64xi32, #tpu.memory_space<hbm>> -> memref<10000x64xi32, #tpu.memory_space<hbm>>
      tpu.wait_indirect_dma semaphore(%arg12 : memref<!tpu.dma_semaphore, #tpu.memory_space<semaphore_mem>>) src(%dma_wait3A_112 : memref<10000x64xi32, #tpu.memory_space<hbm>>) dst(%arg8 : memref<80x64xi32, #tpu.memory_space<vmem>>)
      %add3A_113 = arith.constant 2 : i32
      %add3A_114 = arith.addi %mul3A_70, %add3A_113 : i32
      %mul3A_115 = arith.constant 80 : i32
      %mul3A_116 = arith.muli %add3A_114, %mul3A_115 : i32
      %add3A_117 = arith.addi %mul3A_2, %mul3A_116 : i32
      %dma_start3A_118 = arith.constant 0 : i32
      %dma_start3A_119 = tpu.memref_slice %arg4[%add3A_117, %dma_start3A_118] : memref<115200x64xi32, #tpu.memory_space<hbm>> -> memref<80x64xi32, #tpu.memory_space<hbm>>
      %dma_start3A_120 = arith.constant 0 : i32
      %dma_start3A_121 = tpu.memref_slice %arg4[%add3A_117, %dma_start3A_120] : memref<115200x64xi32, #tpu.memory_space<hbm>> -> memref<80x64xi32, #tpu.memory_space<hbm>>
      tpu.enqueue_dma source(%arg8 : memref<80x64xi32, #tpu.memory_space<vmem>>) target(%dma_start3A_121 : memref<80x64xi32, #tpu.memory_space<hbm>>) target_semaphore(%arg16 : memref<!tpu.dma_semaphore, #tpu.memory_space<semaphore_mem>>)
      %add3A_122 = arith.constant 3 : i32
      %add3A_123 = arith.addi %mul3A_70, %add3A_122 : i32
      %mul3A_124 = arith.constant 80 : i32
      %mul3A_125 = arith.muli %add3A_123, %mul3A_124 : i32
      %dma_wait3A_126 = tpu.memref_slice %arg5[%mul3A_125] : memref<3600xi32, #tpu.memory_space<vmem>> -> memref<80xi32, #tpu.memory_space<vmem>>
      %dma_wait3A_127 = arith.constant 0 : i32
      %dma_wait3A_128 = arith.constant 0 : i32
      %dma_wait3A_129 = tpu.memref_slice %arg2[%dma_wait3A_127, %dma_wait3A_128] : memref<10000x64xi32, #tpu.memory_space<hbm>> -> memref<10000x64xi32, #tpu.memory_space<hbm>>
      tpu.wait_indirect_dma semaphore(%arg13 : memref<!tpu.dma_semaphore, #tpu.memory_space<semaphore_mem>>) src(%dma_wait3A_129 : memref<10000x64xi32, #tpu.memory_space<hbm>>) dst(%arg9 : memref<80x64xi32, #tpu.memory_space<vmem>>)
      %add3A_130 = arith.constant 3 : i32
      %add3A_131 = arith.addi %mul3A_70, %add3A_130 : i32
      %mul3A_132 = arith.constant 80 : i32
      %mul3A_133 = arith.muli %add3A_131, %mul3A_132 : i32
      %add3A_134 = arith.addi %mul3A_2, %mul3A_133 : i32
      %dma_start3A_135 = arith.constant 0 : i32
      %dma_start3A_136 = tpu.memref_slice %arg4[%add3A_134, %dma_start3A_135] : memref<115200x64xi32, #tpu.memory_space<hbm>> -> memref<80x64xi32, #tpu.memory_space<hbm>>
      %dma_start3A_137 = arith.constant 0 : i32
      %dma_start3A_138 = tpu.memref_slice %arg4[%add3A_134, %dma_start3A_137] : memref<115200x64xi32, #tpu.memory_space<hbm>> -> memref<80x64xi32, #tpu.memory_space<hbm>>
      tpu.enqueue_dma source(%arg9 : memref<80x64xi32, #tpu.memory_space<vmem>>) target(%dma_start3A_138 : memref<80x64xi32, #tpu.memory_space<hbm>>) target_semaphore(%arg17 : memref<!tpu.dma_semaphore, #tpu.memory_space<semaphore_mem>>)
      %add3A_139 = arith.constant 0 : i32
      %add3A_140 = arith.addi %mul3A_70, %add3A_139 : i32
      %add3A_141 = arith.constant 4 : i32
      %add3A_142 = arith.addi %add3A_140, %add3A_141 : i32
      %lt3A = arith.constant 45 : i32
      %lt3A_143 = arith.cmpi slt, %add3A_142, %lt3A : i32
      %convert_element_type3A = arith.extui %lt3A_143 : i1 to i32
      %cond3A = arith.constant 0 : i32
      %cond3A_144 = arith.cmpi ne, %convert_element_type3A, %cond3A : i32
      scf.if %cond3A_144 {
        %add3A_172 = arith.constant 0 : i32
        %add3A_173 = arith.addi %mul3A_70, %add3A_172 : i32
        %mul3A_174 = arith.constant 80 : i32
        %mul3A_175 = arith.muli %add3A_173, %mul3A_174 : i32
        %add3A_176 = arith.addi %mul3A_2, %mul3A_175 : i32
        %dma_wait3A_177 = arith.constant 0 : i32
        %dma_wait3A_178 = tpu.memref_slice %arg4[%add3A_176, %dma_wait3A_177] : memref<115200x64xi32, #tpu.memory_space<hbm>> -> memref<80x64xi32, #tpu.memory_space<hbm>>
        %dma_wait3A_179 = arith.constant 0 : i32
        %dma_wait3A_180 = tpu.memref_slice %arg4[%add3A_176, %dma_wait3A_179] : memref<115200x64xi32, #tpu.memory_space<hbm>> -> memref<80x64xi32, #tpu.memory_space<hbm>>
        tpu.wait_dma2 semaphore(%arg14 : memref<!tpu.dma_semaphore, #tpu.memory_space<semaphore_mem>>) src(%arg6 : memref<80x64xi32, #tpu.memory_space<vmem>>) dst(%dma_wait3A_180 : memref<80x64xi32, #tpu.memory_space<hbm>>)
        %mul3A_181 = arith.constant 80 : i32
        %mul3A_182 = arith.muli %add3A_142, %mul3A_181 : i32
        %dma_start3A_183 = tpu.memref_slice %arg5[%mul3A_182] : memref<3600xi32, #tpu.memory_space<vmem>> -> memref<80xi32, #tpu.memory_space<vmem>>
        %dma_start3A_184 = arith.constant 0 : i32
        %dma_start3A_185 = arith.constant 0 : i32
        %dma_start3A_186 = tpu.memref_slice %arg2[%dma_start3A_184, %dma_start3A_185] : memref<10000x64xi32, #tpu.memory_space<hbm>> -> memref<10000x64xi32, #tpu.memory_space<hbm>>
        tpu.enqueue_indirect_dma source(%dma_start3A_186 : memref<10000x64xi32, #tpu.memory_space<hbm>>) target(%arg6 : memref<80x64xi32, #tpu.memory_space<vmem>>) offsets(%dma_start3A_183 : memref<80xi32, #tpu.memory_space<vmem>>) semaphore(%arg10 : memref<!tpu.dma_semaphore, #tpu.memory_space<semaphore_mem>>)
      } else {
      }
      %add3A_145 = arith.constant 1 : i32
      %add3A_146 = arith.addi %mul3A_70, %add3A_145 : i32
      %add3A_147 = arith.constant 4 : i32
      %add3A_148 = arith.addi %add3A_146, %add3A_147 : i32
      %lt3A_149 = arith.constant 45 : i32
      %lt3A_150 = arith.cmpi slt, %add3A_148, %lt3A_149 : i32
      %convert_element_type3A_151 = arith.extui %lt3A_150 : i1 to i32
      %cond3A_152 = arith.constant 0 : i32
      %cond3A_153 = arith.cmpi ne, %convert_element_type3A_151, %cond3A_152 : i32
      scf.if %cond3A_153 {
        %add3A_172 = arith.constant 1 : i32
        %add3A_173 = arith.addi %mul3A_70, %add3A_172 : i32
        %mul3A_174 = arith.constant 80 : i32
        %mul3A_175 = arith.muli %add3A_173, %mul3A_174 : i32
        %add3A_176 = arith.addi %mul3A_2, %mul3A_175 : i32
        %dma_wait3A_177 = arith.constant 0 : i32
        %dma_wait3A_178 = tpu.memref_slice %arg4[%add3A_176, %dma_wait3A_177] : memref<115200x64xi32, #tpu.memory_space<hbm>> -> memref<80x64xi32, #tpu.memory_space<hbm>>
        %dma_wait3A_179 = arith.constant 0 : i32
        %dma_wait3A_180 = tpu.memref_slice %arg4[%add3A_176, %dma_wait3A_179] : memref<115200x64xi32, #tpu.memory_space<hbm>> -> memref<80x64xi32, #tpu.memory_space<hbm>>
        tpu.wait_dma2 semaphore(%arg15 : memref<!tpu.dma_semaphore, #tpu.memory_space<semaphore_mem>>) src(%arg7 : memref<80x64xi32, #tpu.memory_space<vmem>>) dst(%dma_wait3A_180 : memref<80x64xi32, #tpu.memory_space<hbm>>)
        %mul3A_181 = arith.constant 80 : i32
        %mul3A_182 = arith.muli %add3A_148, %mul3A_181 : i32
        %dma_start3A_183 = tpu.memref_slice %arg5[%mul3A_182] : memref<3600xi32, #tpu.memory_space<vmem>> -> memref<80xi32, #tpu.memory_space<vmem>>
        %dma_start3A_184 = arith.constant 0 : i32
        %dma_start3A_185 = arith.constant 0 : i32
        %dma_start3A_186 = tpu.memref_slice %arg2[%dma_start3A_184, %dma_start3A_185] : memref<10000x64xi32, #tpu.memory_space<hbm>> -> memref<10000x64xi32, #tpu.memory_space<hbm>>
        tpu.enqueue_indirect_dma source(%dma_start3A_186 : memref<10000x64xi32, #tpu.memory_space<hbm>>) target(%arg7 : memref<80x64xi32, #tpu.memory_space<vmem>>) offsets(%dma_start3A_183 : memref<80xi32, #tpu.memory_space<vmem>>) semaphore(%arg11 : memref<!tpu.dma_semaphore, #tpu.memory_space<semaphore_mem>>)
      } else {
      }
      %add3A_154 = arith.constant 2 : i32
      %add3A_155 = arith.addi %mul3A_70, %add3A_154 : i32
      %add3A_156 = arith.constant 4 : i32
      %add3A_157 = arith.addi %add3A_155, %add3A_156 : i32
      %lt3A_158 = arith.constant 45 : i32
      %lt3A_159 = arith.cmpi slt, %add3A_157, %lt3A_158 : i32
      %convert_element_type3A_160 = arith.extui %lt3A_159 : i1 to i32
      %cond3A_161 = arith.constant 0 : i32
      %cond3A_162 = arith.cmpi ne, %convert_element_type3A_160, %cond3A_161 : i32
      scf.if %cond3A_162 {
        %add3A_172 = arith.constant 2 : i32
        %add3A_173 = arith.addi %mul3A_70, %add3A_172 : i32
        %mul3A_174 = arith.constant 80 : i32
        %mul3A_175 = arith.muli %add3A_173, %mul3A_174 : i32
        %add3A_176 = arith.addi %mul3A_2, %mul3A_175 : i32
        %dma_wait3A_177 = arith.constant 0 : i32
        %dma_wait3A_178 = tpu.memref_slice %arg4[%add3A_176, %dma_wait3A_177] : memref<115200x64xi32, #tpu.memory_space<hbm>> -> memref<80x64xi32, #tpu.memory_space<hbm>>
        %dma_wait3A_179 = arith.constant 0 : i32
        %dma_wait3A_180 = tpu.memref_slice %arg4[%add3A_176, %dma_wait3A_179] : memref<115200x64xi32, #tpu.memory_space<hbm>> -> memref<80x64xi32, #tpu.memory_space<hbm>>
        tpu.wait_dma2 semaphore(%arg16 : memref<!tpu.dma_semaphore, #tpu.memory_space<semaphore_mem>>) src(%arg8 : memref<80x64xi32, #tpu.memory_space<vmem>>) dst(%dma_wait3A_180 : memref<80x64xi32, #tpu.memory_space<hbm>>)
        %mul3A_181 = arith.constant 80 : i32
        %mul3A_182 = arith.muli %add3A_157, %mul3A_181 : i32
        %dma_start3A_183 = tpu.memref_slice %arg5[%mul3A_182] : memref<3600xi32, #tpu.memory_space<vmem>> -> memref<80xi32, #tpu.memory_space<vmem>>
        %dma_start3A_184 = arith.constant 0 : i32
        %dma_start3A_185 = arith.constant 0 : i32
        %dma_start3A_186 = tpu.memref_slice %arg2[%dma_start3A_184, %dma_start3A_185] : memref<10000x64xi32, #tpu.memory_space<hbm>> -> memref<10000x64xi32, #tpu.memory_space<hbm>>
        tpu.enqueue_indirect_dma source(%dma_start3A_186 : memref<10000x64xi32, #tpu.memory_space<hbm>>) target(%arg8 : memref<80x64xi32, #tpu.memory_space<vmem>>) offsets(%dma_start3A_183 : memref<80xi32, #tpu.memory_space<vmem>>) semaphore(%arg12 : memref<!tpu.dma_semaphore, #tpu.memory_space<semaphore_mem>>)
      } else {
      }
      %add3A_163 = arith.constant 3 : i32
      %add3A_164 = arith.addi %mul3A_70, %add3A_163 : i32
      %add3A_165 = arith.constant 4 : i32
      %add3A_166 = arith.addi %add3A_164, %add3A_165 : i32
      %lt3A_167 = arith.constant 45 : i32
      %lt3A_168 = arith.cmpi slt, %add3A_166, %lt3A_167 : i32
      %convert_element_type3A_169 = arith.extui %lt3A_168 : i1 to i32
      %cond3A_170 = arith.constant 0 : i32
      %cond3A_171 = arith.cmpi ne, %convert_element_type3A_169, %cond3A_170 : i32
      scf.if %cond3A_171 {
        %add3A_172 = arith.constant 3 : i32
        %add3A_173 = arith.addi %mul3A_70, %add3A_172 : i32
        %mul3A_174 = arith.constant 80 : i32
        %mul3A_175 = arith.muli %add3A_173, %mul3A_174 : i32
        %add3A_176 = arith.addi %mul3A_2, %mul3A_175 : i32
        %dma_wait3A_177 = arith.constant 0 : i32
        %dma_wait3A_178 = tpu.memref_slice %arg4[%add3A_176, %dma_wait3A_177] : memref<115200x64xi32, #tpu.memory_space<hbm>> -> memref<80x64xi32, #tpu.memory_space<hbm>>
        %dma_wait3A_179 = arith.constant 0 : i32
        %dma_wait3A_180 = tpu.memref_slice %arg4[%add3A_176, %dma_wait3A_179] : memref<115200x64xi32, #tpu.memory_space<hbm>> -> memref<80x64xi32, #tpu.memory_space<hbm>>
        tpu.wait_dma2 semaphore(%arg17 : memref<!tpu.dma_semaphore, #tpu.memory_space<semaphore_mem>>) src(%arg9 : memref<80x64xi32, #tpu.memory_space<vmem>>) dst(%dma_wait3A_180 : memref<80x64xi32, #tpu.memory_space<hbm>>)
        %mul3A_181 = arith.constant 80 : i32
        %mul3A_182 = arith.muli %add3A_166, %mul3A_181 : i32
        %dma_start3A_183 = tpu.memref_slice %arg5[%mul3A_182] : memref<3600xi32, #tpu.memory_space<vmem>> -> memref<80xi32, #tpu.memory_space<vmem>>
        %dma_start3A_184 = arith.constant 0 : i32
        %dma_start3A_185 = arith.constant 0 : i32
        %dma_start3A_186 = tpu.memref_slice %arg2[%dma_start3A_184, %dma_start3A_185] : memref<10000x64xi32, #tpu.memory_space<hbm>> -> memref<10000x64xi32, #tpu.memory_space<hbm>>
        tpu.enqueue_indirect_dma source(%dma_start3A_186 : memref<10000x64xi32, #tpu.memory_space<hbm>>) target(%arg9 : memref<80x64xi32, #tpu.memory_space<vmem>>) offsets(%dma_start3A_183 : memref<80xi32, #tpu.memory_space<vmem>>) semaphore(%arg13 : memref<!tpu.dma_semaphore, #tpu.memory_space<semaphore_mem>>)
      } else {
      }
    }
    %scan3A_28 = arith.constant 11 : i32
    %dma_wait3A_29 = arith.constant 3520 : i32
    %dma_wait3A_30 = tpu.memref_slice %arg5[%dma_wait3A_29] : memref<3600xi32, #tpu.memory_space<vmem>> -> memref<80xi32, #tpu.memory_space<vmem>>
    %dma_wait3A_31 = arith.constant 0 : i32
    %dma_wait3A_32 = arith.constant 0 : i32
    %dma_wait3A_33 = tpu.memref_slice %arg2[%dma_wait3A_31, %dma_wait3A_32] : memref<10000x64xi32, #tpu.memory_space<hbm>> -> memref<10000x64xi32, #tpu.memory_space<hbm>>
    tpu.wait_indirect_dma semaphore(%arg10 : memref<!tpu.dma_semaphore, #tpu.memory_space<semaphore_mem>>) src(%dma_wait3A_33 : memref<10000x64xi32, #tpu.memory_space<hbm>>) dst(%arg6 : memref<80x64xi32, #tpu.memory_space<vmem>>)
    %add3A_34 = arith.constant 3520 : i32
    %add3A_35 = arith.addi %mul3A_2, %add3A_34 : i32
    %dma_start3A_36 = arith.constant 0 : i32
    %dma_start3A_37 = tpu.memref_slice %arg4[%add3A_35, %dma_start3A_36] : memref<115200x64xi32, #tpu.memory_space<hbm>> -> memref<80x64xi32, #tpu.memory_space<hbm>>
    %dma_start3A_38 = arith.constant 0 : i32
    %dma_start3A_39 = tpu.memref_slice %arg4[%add3A_35, %dma_start3A_38] : memref<115200x64xi32, #tpu.memory_space<hbm>> -> memref<80x64xi32, #tpu.memory_space<hbm>>
    tpu.enqueue_dma source(%arg6 : memref<80x64xi32, #tpu.memory_space<vmem>>) target(%dma_start3A_39 : memref<80x64xi32, #tpu.memory_space<hbm>>) target_semaphore(%arg14 : memref<!tpu.dma_semaphore, #tpu.memory_space<semaphore_mem>>)
    %add3A_40 = arith.constant 3520 : i32
    %add3A_41 = arith.addi %mul3A_2, %add3A_40 : i32
    %dma_wait3A_42 = arith.constant 0 : i32
    %dma_wait3A_43 = tpu.memref_slice %arg4[%add3A_41, %dma_wait3A_42] : memref<115200x64xi32, #tpu.memory_space<hbm>> -> memref<80x64xi32, #tpu.memory_space<hbm>>
    %dma_wait3A_44 = arith.constant 0 : i32
    %dma_wait3A_45 = tpu.memref_slice %arg4[%add3A_41, %dma_wait3A_44] : memref<115200x64xi32, #tpu.memory_space<hbm>> -> memref<80x64xi32, #tpu.memory_space<hbm>>
    tpu.wait_dma2 semaphore(%arg14 : memref<!tpu.dma_semaphore, #tpu.memory_space<semaphore_mem>>) src(%arg6 : memref<80x64xi32, #tpu.memory_space<vmem>>) dst(%dma_wait3A_45 : memref<80x64xi32, #tpu.memory_space<hbm>>)
    %add3A_46 = arith.constant 3280 : i32
    %add3A_47 = arith.addi %mul3A_2, %add3A_46 : i32
    %dma_wait3A_48 = arith.constant 0 : i32
    %dma_wait3A_49 = tpu.memref_slice %arg4[%add3A_47, %dma_wait3A_48] : memref<115200x64xi32, #tpu.memory_space<hbm>> -> memref<80x64xi32, #tpu.memory_space<hbm>>
    %dma_wait3A_50 = arith.constant 0 : i32
    %dma_wait3A_51 = tpu.memref_slice %arg4[%add3A_47, %dma_wait3A_50] : memref<115200x64xi32, #tpu.memory_space<hbm>> -> memref<80x64xi32, #tpu.memory_space<hbm>>
    tpu.wait_dma2 semaphore(%arg15 : memref<!tpu.dma_semaphore, #tpu.memory_space<semaphore_mem>>) src(%arg7 : memref<80x64xi32, #tpu.memory_space<vmem>>) dst(%dma_wait3A_51 : memref<80x64xi32, #tpu.memory_space<hbm>>)
    %add3A_52 = arith.constant 3360 : i32
    %add3A_53 = arith.addi %mul3A_2, %add3A_52 : i32
    %dma_wait3A_54 = arith.constant 0 : i32
    %dma_wait3A_55 = tpu.memref_slice %arg4[%add3A_53, %dma_wait3A_54] : memref<115200x64xi32, #tpu.memory_space<hbm>> -> memref<80x64xi32, #tpu.memory_space<hbm>>
    %dma_wait3A_56 = arith.constant 0 : i32
    %dma_wait3A_57 = tpu.memref_slice %arg4[%add3A_53, %dma_wait3A_56] : memref<115200x64xi32, #tpu.memory_space<hbm>> -> memref<80x64xi32, #tpu.memory_space<hbm>>
    tpu.wait_dma2 semaphore(%arg16 : memref<!tpu.dma_semaphore, #tpu.memory_space<semaphore_mem>>) src(%arg8 : memref<80x64xi32, #tpu.memory_space<vmem>>) dst(%dma_wait3A_57 : memref<80x64xi32, #tpu.memory_space<hbm>>)
    %add3A_58 = arith.constant 3440 : i32
    %add3A_59 = arith.addi %mul3A_2, %add3A_58 : i32
    %dma_wait3A_60 = arith.constant 0 : i32
    %dma_wait3A_61 = tpu.memref_slice %arg4[%add3A_59, %dma_wait3A_60] : memref<115200x64xi32, #tpu.memory_space<hbm>> -> memref<80x64xi32, #tpu.memory_space<hbm>>
    %dma_wait3A_62 = arith.constant 0 : i32
    %dma_wait3A_63 = tpu.memref_slice %arg4[%add3A_59, %dma_wait3A_62] : memref<115200x64xi32, #tpu.memory_space<hbm>> -> memref<80x64xi32, #tpu.memory_space<hbm>>
    tpu.wait_dma2 semaphore(%arg17 : memref<!tpu.dma_semaphore, #tpu.memory_space<semaphore_mem>>) src(%arg9 : memref<80x64xi32, #tpu.memory_space<vmem>>) dst(%dma_wait3A_63 : memref<80x64xi32, #tpu.memory_space<hbm>>)
    return
  }
}

#map = affine_map<(d0, d1) -> (0, 0)>
#map1 = affine_map<(d0, d1) -> (0)>
module attributes {stable_mosaic.version = 14 : i64} {
  func.func @gather_kernel(%arg0: i32, %arg1: i32, %arg2: memref<10000x64xi32, #tpu.memory_space<hbm>>, %arg3: memref<204800xi32, #tpu.memory_space<hbm>>, %arg4: memref<204800x64xi32, #tpu.memory_space<hbm>>, %arg5: memref<6400xi32, #tpu.memory_space<vmem>>, %arg6: memref<80x64xi32, #tpu.memory_space<vmem>>, %arg7: memref<80x64xi32, #tpu.memory_space<vmem>>, %arg8: memref<80x64xi32, #tpu.memory_space<vmem>>, %arg9: memref<80x64xi32, #tpu.memory_space<vmem>>, %arg10: memref<!tpu.dma_semaphore, #tpu.memory_space<semaphore_mem>>, %arg11: memref<!tpu.dma_semaphore, #tpu.memory_space<semaphore_mem>>, %arg12: memref<!tpu.dma_semaphore, #tpu.memory_space<semaphore_mem>>, %arg13: memref<!tpu.dma_semaphore, #tpu.memory_space<semaphore_mem>>, %arg14: memref<!tpu.dma_semaphore, #tpu.memory_space<semaphore_mem>>, %arg15: memref<!tpu.dma_semaphore, #tpu.memory_space<semaphore_mem>>, %arg16: memref<!tpu.dma_semaphore, #tpu.memory_space<semaphore_mem>>, %arg17: memref<!tpu.dma_semaphore, #tpu.memory_space<semaphore_mem>>, %arg18: memref<!tpu.dma_semaphore, #tpu.memory_space<semaphore_mem>>) attributes {dimension_semantics = [#tpu.dimension_semantics<core_parallel>, #tpu.dimension_semantics<subcore_parallel>], iteration_bounds = array<i64: 2, 16>, scalar_prefetch = 0 : i64, scratch_operands = 14 : i64, tpu.core_type = #tpu.core_type<sc_vector_subcore>, window_params = [{transform_indices = #map}, {transform_indices = #map1}, {transform_indices = #map}]} {
    %mul3A = arith.constant 2 : i32
    %mul3A_0 = arith.muli %arg1, %mul3A : i32
    %add3A = arith.addi %mul3A_0, %arg0 : i32
    %mul3A_1 = arith.constant 6400 : i32
    %mul3A_2 = arith.muli %add3A, %mul3A_1 : i32
    %dma_start3A = tpu.memref_slice %arg3[%mul3A_2] : memref<204800xi32, #tpu.memory_space<hbm>> -> memref<6400xi32, #tpu.memory_space<hbm>>
    %dma_start3A_3 = tpu.memref_slice %arg3[%mul3A_2] : memref<204800xi32, #tpu.memory_space<hbm>> -> memref<6400xi32, #tpu.memory_space<hbm>>
    tpu.enqueue_dma source(%dma_start3A_3 : memref<6400xi32, #tpu.memory_space<hbm>>) target(%arg5 : memref<6400xi32, #tpu.memory_space<vmem>>) target_semaphore(%arg18 : memref<!tpu.dma_semaphore, #tpu.memory_space<semaphore_mem>>)
    %dma_wait3A = tpu.memref_slice %arg3[%mul3A_2] : memref<204800xi32, #tpu.memory_space<hbm>> -> memref<6400xi32, #tpu.memory_space<hbm>>
    %dma_wait3A_4 = tpu.memref_slice %arg3[%mul3A_2] : memref<204800xi32, #tpu.memory_space<hbm>> -> memref<6400xi32, #tpu.memory_space<hbm>>
    tpu.wait_dma2 semaphore(%arg18 : memref<!tpu.dma_semaphore, #tpu.memory_space<semaphore_mem>>) src(%dma_wait3A_4 : memref<6400xi32, #tpu.memory_space<hbm>>) dst(%arg5 : memref<6400xi32, #tpu.memory_space<vmem>>)
    %dma_start3A_5 = arith.constant 0 : i32
    %dma_start3A_6 = tpu.memref_slice %arg5[%dma_start3A_5] : memref<6400xi32, #tpu.memory_space<vmem>> -> memref<80xi32, #tpu.memory_space<vmem>>
    %dma_start3A_7 = arith.constant 0 : i32
    %dma_start3A_8 = arith.constant 0 : i32
    %dma_start3A_9 = tpu.memref_slice %arg2[%dma_start3A_7, %dma_start3A_8] : memref<10000x64xi32, #tpu.memory_space<hbm>> -> memref<10000x64xi32, #tpu.memory_space<hbm>>
    tpu.enqueue_indirect_dma source(%dma_start3A_9 : memref<10000x64xi32, #tpu.memory_space<hbm>>) target(%arg6 : memref<80x64xi32, #tpu.memory_space<vmem>>) offsets(%dma_start3A_6 : memref<80xi32, #tpu.memory_space<vmem>>) semaphore(%arg10 : memref<!tpu.dma_semaphore, #tpu.memory_space<semaphore_mem>>)
    %dma_start3A_10 = arith.constant 80 : i32
    %dma_start3A_11 = tpu.memref_slice %arg5[%dma_start3A_10] : memref<6400xi32, #tpu.memory_space<vmem>> -> memref<80xi32, #tpu.memory_space<vmem>>
    %dma_start3A_12 = arith.constant 0 : i32
    %dma_start3A_13 = arith.constant 0 : i32
    %dma_start3A_14 = tpu.memref_slice %arg2[%dma_start3A_12, %dma_start3A_13] : memref<10000x64xi32, #tpu.memory_space<hbm>> -> memref<10000x64xi32, #tpu.memory_space<hbm>>
    tpu.enqueue_indirect_dma source(%dma_start3A_14 : memref<10000x64xi32, #tpu.memory_space<hbm>>) target(%arg7 : memref<80x64xi32, #tpu.memory_space<vmem>>) offsets(%dma_start3A_11 : memref<80xi32, #tpu.memory_space<vmem>>) semaphore(%arg11 : memref<!tpu.dma_semaphore, #tpu.memory_space<semaphore_mem>>)
    %dma_start3A_15 = arith.constant 160 : i32
    %dma_start3A_16 = tpu.memref_slice %arg5[%dma_start3A_15] : memref<6400xi32, #tpu.memory_space<vmem>> -> memref<80xi32, #tpu.memory_space<vmem>>
    %dma_start3A_17 = arith.constant 0 : i32
    %dma_start3A_18 = arith.constant 0 : i32
    %dma_start3A_19 = tpu.memref_slice %arg2[%dma_start3A_17, %dma_start3A_18] : memref<10000x64xi32, #tpu.memory_space<hbm>> -> memref<10000x64xi32, #tpu.memory_space<hbm>>
    tpu.enqueue_indirect_dma source(%dma_start3A_19 : memref<10000x64xi32, #tpu.memory_space<hbm>>) target(%arg8 : memref<80x64xi32, #tpu.memory_space<vmem>>) offsets(%dma_start3A_16 : memref<80xi32, #tpu.memory_space<vmem>>) semaphore(%arg12 : memref<!tpu.dma_semaphore, #tpu.memory_space<semaphore_mem>>)
    %dma_start3A_20 = arith.constant 240 : i32
    %dma_start3A_21 = tpu.memref_slice %arg5[%dma_start3A_20] : memref<6400xi32, #tpu.memory_space<vmem>> -> memref<80xi32, #tpu.memory_space<vmem>>
    %dma_start3A_22 = arith.constant 0 : i32
    %dma_start3A_23 = arith.constant 0 : i32
    %dma_start3A_24 = tpu.memref_slice %arg2[%dma_start3A_22, %dma_start3A_23] : memref<10000x64xi32, #tpu.memory_space<hbm>> -> memref<10000x64xi32, #tpu.memory_space<hbm>>
    tpu.enqueue_indirect_dma source(%dma_start3A_24 : memref<10000x64xi32, #tpu.memory_space<hbm>>) target(%arg9 : memref<80x64xi32, #tpu.memory_space<vmem>>) offsets(%dma_start3A_21 : memref<80xi32, #tpu.memory_space<vmem>>) semaphore(%arg13 : memref<!tpu.dma_semaphore, #tpu.memory_space<semaphore_mem>>)
    %scan3A = arith.constant 0 : i32
    %scan3A_25 = arith.constant 20 : i32
    %scan3A_26 = arith.addi %scan3A, %scan3A_25 : i32
    %scan3A_27 = arith.constant 1 : i32
    scf.for %scan3A_53 = %scan3A to %scan3A_26 step %scan3A_27  : i32 {
      %mul3A_54 = arith.constant 1 : i32
      %mul3A_55 = arith.muli %scan3A_53, %mul3A_54 : i32
      %add3A_56 = arith.constant 0 : i32
      %add3A_57 = arith.addi %add3A_56, %mul3A_55 : i32
      %mul3A_58 = arith.constant 4 : i32
      %mul3A_59 = arith.muli %add3A_57, %mul3A_58 : i32
      %add3A_60 = arith.constant 0 : i32
      %add3A_61 = arith.addi %mul3A_59, %add3A_60 : i32
      %mul3A_62 = arith.constant 80 : i32
      %mul3A_63 = arith.muli %add3A_61, %mul3A_62 : i32
      %dma_wait3A_64 = tpu.memref_slice %arg5[%mul3A_63] : memref<6400xi32, #tpu.memory_space<vmem>> -> memref<80xi32, #tpu.memory_space<vmem>>
      %dma_wait3A_65 = arith.constant 0 : i32
      %dma_wait3A_66 = arith.constant 0 : i32
      %dma_wait3A_67 = tpu.memref_slice %arg2[%dma_wait3A_65, %dma_wait3A_66] : memref<10000x64xi32, #tpu.memory_space<hbm>> -> memref<10000x64xi32, #tpu.memory_space<hbm>>
      tpu.wait_indirect_dma semaphore(%arg10 : memref<!tpu.dma_semaphore, #tpu.memory_space<semaphore_mem>>) src(%dma_wait3A_67 : memref<10000x64xi32, #tpu.memory_space<hbm>>) dst(%arg6 : memref<80x64xi32, #tpu.memory_space<vmem>>)
      %add3A_68 = arith.constant 0 : i32
      %add3A_69 = arith.addi %mul3A_59, %add3A_68 : i32
      %mul3A_70 = arith.constant 80 : i32
      %mul3A_71 = arith.muli %add3A_69, %mul3A_70 : i32
      %add3A_72 = arith.addi %mul3A_2, %mul3A_71 : i32
      %dma_start3A_73 = arith.constant 0 : i32
      %dma_start3A_74 = tpu.memref_slice %arg4[%add3A_72, %dma_start3A_73] : memref<204800x64xi32, #tpu.memory_space<hbm>> -> memref<80x64xi32, #tpu.memory_space<hbm>>
      %dma_start3A_75 = arith.constant 0 : i32
      %dma_start3A_76 = tpu.memref_slice %arg4[%add3A_72, %dma_start3A_75] : memref<204800x64xi32, #tpu.memory_space<hbm>> -> memref<80x64xi32, #tpu.memory_space<hbm>>
      tpu.enqueue_dma source(%arg6 : memref<80x64xi32, #tpu.memory_space<vmem>>) target(%dma_start3A_76 : memref<80x64xi32, #tpu.memory_space<hbm>>) target_semaphore(%arg14 : memref<!tpu.dma_semaphore, #tpu.memory_space<semaphore_mem>>)
      %add3A_77 = arith.constant 1 : i32
      %add3A_78 = arith.addi %mul3A_59, %add3A_77 : i32
      %mul3A_79 = arith.constant 80 : i32
      %mul3A_80 = arith.muli %add3A_78, %mul3A_79 : i32
      %dma_wait3A_81 = tpu.memref_slice %arg5[%mul3A_80] : memref<6400xi32, #tpu.memory_space<vmem>> -> memref<80xi32, #tpu.memory_space<vmem>>
      %dma_wait3A_82 = arith.constant 0 : i32
      %dma_wait3A_83 = arith.constant 0 : i32
      %dma_wait3A_84 = tpu.memref_slice %arg2[%dma_wait3A_82, %dma_wait3A_83] : memref<10000x64xi32, #tpu.memory_space<hbm>> -> memref<10000x64xi32, #tpu.memory_space<hbm>>
      tpu.wait_indirect_dma semaphore(%arg11 : memref<!tpu.dma_semaphore, #tpu.memory_space<semaphore_mem>>) src(%dma_wait3A_84 : memref<10000x64xi32, #tpu.memory_space<hbm>>) dst(%arg7 : memref<80x64xi32, #tpu.memory_space<vmem>>)
      %add3A_85 = arith.constant 1 : i32
      %add3A_86 = arith.addi %mul3A_59, %add3A_85 : i32
      %mul3A_87 = arith.constant 80 : i32
      %mul3A_88 = arith.muli %add3A_86, %mul3A_87 : i32
      %add3A_89 = arith.addi %mul3A_2, %mul3A_88 : i32
      %dma_start3A_90 = arith.constant 0 : i32
      %dma_start3A_91 = tpu.memref_slice %arg4[%add3A_89, %dma_start3A_90] : memref<204800x64xi32, #tpu.memory_space<hbm>> -> memref<80x64xi32, #tpu.memory_space<hbm>>
      %dma_start3A_92 = arith.constant 0 : i32
      %dma_start3A_93 = tpu.memref_slice %arg4[%add3A_89, %dma_start3A_92] : memref<204800x64xi32, #tpu.memory_space<hbm>> -> memref<80x64xi32, #tpu.memory_space<hbm>>
      tpu.enqueue_dma source(%arg7 : memref<80x64xi32, #tpu.memory_space<vmem>>) target(%dma_start3A_93 : memref<80x64xi32, #tpu.memory_space<hbm>>) target_semaphore(%arg15 : memref<!tpu.dma_semaphore, #tpu.memory_space<semaphore_mem>>)
      %add3A_94 = arith.constant 2 : i32
      %add3A_95 = arith.addi %mul3A_59, %add3A_94 : i32
      %mul3A_96 = arith.constant 80 : i32
      %mul3A_97 = arith.muli %add3A_95, %mul3A_96 : i32
      %dma_wait3A_98 = tpu.memref_slice %arg5[%mul3A_97] : memref<6400xi32, #tpu.memory_space<vmem>> -> memref<80xi32, #tpu.memory_space<vmem>>
      %dma_wait3A_99 = arith.constant 0 : i32
      %dma_wait3A_100 = arith.constant 0 : i32
      %dma_wait3A_101 = tpu.memref_slice %arg2[%dma_wait3A_99, %dma_wait3A_100] : memref<10000x64xi32, #tpu.memory_space<hbm>> -> memref<10000x64xi32, #tpu.memory_space<hbm>>
      tpu.wait_indirect_dma semaphore(%arg12 : memref<!tpu.dma_semaphore, #tpu.memory_space<semaphore_mem>>) src(%dma_wait3A_101 : memref<10000x64xi32, #tpu.memory_space<hbm>>) dst(%arg8 : memref<80x64xi32, #tpu.memory_space<vmem>>)
      %add3A_102 = arith.constant 2 : i32
      %add3A_103 = arith.addi %mul3A_59, %add3A_102 : i32
      %mul3A_104 = arith.constant 80 : i32
      %mul3A_105 = arith.muli %add3A_103, %mul3A_104 : i32
      %add3A_106 = arith.addi %mul3A_2, %mul3A_105 : i32
      %dma_start3A_107 = arith.constant 0 : i32
      %dma_start3A_108 = tpu.memref_slice %arg4[%add3A_106, %dma_start3A_107] : memref<204800x64xi32, #tpu.memory_space<hbm>> -> memref<80x64xi32, #tpu.memory_space<hbm>>
      %dma_start3A_109 = arith.constant 0 : i32
      %dma_start3A_110 = tpu.memref_slice %arg4[%add3A_106, %dma_start3A_109] : memref<204800x64xi32, #tpu.memory_space<hbm>> -> memref<80x64xi32, #tpu.memory_space<hbm>>
      tpu.enqueue_dma source(%arg8 : memref<80x64xi32, #tpu.memory_space<vmem>>) target(%dma_start3A_110 : memref<80x64xi32, #tpu.memory_space<hbm>>) target_semaphore(%arg16 : memref<!tpu.dma_semaphore, #tpu.memory_space<semaphore_mem>>)
      %add3A_111 = arith.constant 3 : i32
      %add3A_112 = arith.addi %mul3A_59, %add3A_111 : i32
      %mul3A_113 = arith.constant 80 : i32
      %mul3A_114 = arith.muli %add3A_112, %mul3A_113 : i32
      %dma_wait3A_115 = tpu.memref_slice %arg5[%mul3A_114] : memref<6400xi32, #tpu.memory_space<vmem>> -> memref<80xi32, #tpu.memory_space<vmem>>
      %dma_wait3A_116 = arith.constant 0 : i32
      %dma_wait3A_117 = arith.constant 0 : i32
      %dma_wait3A_118 = tpu.memref_slice %arg2[%dma_wait3A_116, %dma_wait3A_117] : memref<10000x64xi32, #tpu.memory_space<hbm>> -> memref<10000x64xi32, #tpu.memory_space<hbm>>
      tpu.wait_indirect_dma semaphore(%arg13 : memref<!tpu.dma_semaphore, #tpu.memory_space<semaphore_mem>>) src(%dma_wait3A_118 : memref<10000x64xi32, #tpu.memory_space<hbm>>) dst(%arg9 : memref<80x64xi32, #tpu.memory_space<vmem>>)
      %add3A_119 = arith.constant 3 : i32
      %add3A_120 = arith.addi %mul3A_59, %add3A_119 : i32
      %mul3A_121 = arith.constant 80 : i32
      %mul3A_122 = arith.muli %add3A_120, %mul3A_121 : i32
      %add3A_123 = arith.addi %mul3A_2, %mul3A_122 : i32
      %dma_start3A_124 = arith.constant 0 : i32
      %dma_start3A_125 = tpu.memref_slice %arg4[%add3A_123, %dma_start3A_124] : memref<204800x64xi32, #tpu.memory_space<hbm>> -> memref<80x64xi32, #tpu.memory_space<hbm>>
      %dma_start3A_126 = arith.constant 0 : i32
      %dma_start3A_127 = tpu.memref_slice %arg4[%add3A_123, %dma_start3A_126] : memref<204800x64xi32, #tpu.memory_space<hbm>> -> memref<80x64xi32, #tpu.memory_space<hbm>>
      tpu.enqueue_dma source(%arg9 : memref<80x64xi32, #tpu.memory_space<vmem>>) target(%dma_start3A_127 : memref<80x64xi32, #tpu.memory_space<hbm>>) target_semaphore(%arg17 : memref<!tpu.dma_semaphore, #tpu.memory_space<semaphore_mem>>)
      %add3A_128 = arith.constant 0 : i32
      %add3A_129 = arith.addi %mul3A_59, %add3A_128 : i32
      %add3A_130 = arith.constant 4 : i32
      %add3A_131 = arith.addi %add3A_129, %add3A_130 : i32
      %lt3A = arith.constant 80 : i32
      %lt3A_132 = arith.cmpi slt, %add3A_131, %lt3A : i32
      %convert_element_type3A = arith.extui %lt3A_132 : i1 to i32
      %cond3A = arith.constant 0 : i32
      %cond3A_133 = arith.cmpi ne, %convert_element_type3A, %cond3A : i32
      scf.if %cond3A_133 {
        %add3A_161 = arith.constant 0 : i32
        %add3A_162 = arith.addi %mul3A_59, %add3A_161 : i32
        %mul3A_163 = arith.constant 80 : i32
        %mul3A_164 = arith.muli %add3A_162, %mul3A_163 : i32
        %add3A_165 = arith.addi %mul3A_2, %mul3A_164 : i32
        %dma_wait3A_166 = arith.constant 0 : i32
        %dma_wait3A_167 = tpu.memref_slice %arg4[%add3A_165, %dma_wait3A_166] : memref<204800x64xi32, #tpu.memory_space<hbm>> -> memref<80x64xi32, #tpu.memory_space<hbm>>
        %dma_wait3A_168 = arith.constant 0 : i32
        %dma_wait3A_169 = tpu.memref_slice %arg4[%add3A_165, %dma_wait3A_168] : memref<204800x64xi32, #tpu.memory_space<hbm>> -> memref<80x64xi32, #tpu.memory_space<hbm>>
        tpu.wait_dma2 semaphore(%arg14 : memref<!tpu.dma_semaphore, #tpu.memory_space<semaphore_mem>>) src(%arg6 : memref<80x64xi32, #tpu.memory_space<vmem>>) dst(%dma_wait3A_169 : memref<80x64xi32, #tpu.memory_space<hbm>>)
        %mul3A_170 = arith.constant 80 : i32
        %mul3A_171 = arith.muli %add3A_131, %mul3A_170 : i32
        %dma_start3A_172 = tpu.memref_slice %arg5[%mul3A_171] : memref<6400xi32, #tpu.memory_space<vmem>> -> memref<80xi32, #tpu.memory_space<vmem>>
        %dma_start3A_173 = arith.constant 0 : i32
        %dma_start3A_174 = arith.constant 0 : i32
        %dma_start3A_175 = tpu.memref_slice %arg2[%dma_start3A_173, %dma_start3A_174] : memref<10000x64xi32, #tpu.memory_space<hbm>> -> memref<10000x64xi32, #tpu.memory_space<hbm>>
        tpu.enqueue_indirect_dma source(%dma_start3A_175 : memref<10000x64xi32, #tpu.memory_space<hbm>>) target(%arg6 : memref<80x64xi32, #tpu.memory_space<vmem>>) offsets(%dma_start3A_172 : memref<80xi32, #tpu.memory_space<vmem>>) semaphore(%arg10 : memref<!tpu.dma_semaphore, #tpu.memory_space<semaphore_mem>>)
      } else {
      }
      %add3A_134 = arith.constant 1 : i32
      %add3A_135 = arith.addi %mul3A_59, %add3A_134 : i32
      %add3A_136 = arith.constant 4 : i32
      %add3A_137 = arith.addi %add3A_135, %add3A_136 : i32
      %lt3A_138 = arith.constant 80 : i32
      %lt3A_139 = arith.cmpi slt, %add3A_137, %lt3A_138 : i32
      %convert_element_type3A_140 = arith.extui %lt3A_139 : i1 to i32
      %cond3A_141 = arith.constant 0 : i32
      %cond3A_142 = arith.cmpi ne, %convert_element_type3A_140, %cond3A_141 : i32
      scf.if %cond3A_142 {
        %add3A_161 = arith.constant 1 : i32
        %add3A_162 = arith.addi %mul3A_59, %add3A_161 : i32
        %mul3A_163 = arith.constant 80 : i32
        %mul3A_164 = arith.muli %add3A_162, %mul3A_163 : i32
        %add3A_165 = arith.addi %mul3A_2, %mul3A_164 : i32
        %dma_wait3A_166 = arith.constant 0 : i32
        %dma_wait3A_167 = tpu.memref_slice %arg4[%add3A_165, %dma_wait3A_166] : memref<204800x64xi32, #tpu.memory_space<hbm>> -> memref<80x64xi32, #tpu.memory_space<hbm>>
        %dma_wait3A_168 = arith.constant 0 : i32
        %dma_wait3A_169 = tpu.memref_slice %arg4[%add3A_165, %dma_wait3A_168] : memref<204800x64xi32, #tpu.memory_space<hbm>> -> memref<80x64xi32, #tpu.memory_space<hbm>>
        tpu.wait_dma2 semaphore(%arg15 : memref<!tpu.dma_semaphore, #tpu.memory_space<semaphore_mem>>) src(%arg7 : memref<80x64xi32, #tpu.memory_space<vmem>>) dst(%dma_wait3A_169 : memref<80x64xi32, #tpu.memory_space<hbm>>)
        %mul3A_170 = arith.constant 80 : i32
        %mul3A_171 = arith.muli %add3A_137, %mul3A_170 : i32
        %dma_start3A_172 = tpu.memref_slice %arg5[%mul3A_171] : memref<6400xi32, #tpu.memory_space<vmem>> -> memref<80xi32, #tpu.memory_space<vmem>>
        %dma_start3A_173 = arith.constant 0 : i32
        %dma_start3A_174 = arith.constant 0 : i32
        %dma_start3A_175 = tpu.memref_slice %arg2[%dma_start3A_173, %dma_start3A_174] : memref<10000x64xi32, #tpu.memory_space<hbm>> -> memref<10000x64xi32, #tpu.memory_space<hbm>>
        tpu.enqueue_indirect_dma source(%dma_start3A_175 : memref<10000x64xi32, #tpu.memory_space<hbm>>) target(%arg7 : memref<80x64xi32, #tpu.memory_space<vmem>>) offsets(%dma_start3A_172 : memref<80xi32, #tpu.memory_space<vmem>>) semaphore(%arg11 : memref<!tpu.dma_semaphore, #tpu.memory_space<semaphore_mem>>)
      } else {
      }
      %add3A_143 = arith.constant 2 : i32
      %add3A_144 = arith.addi %mul3A_59, %add3A_143 : i32
      %add3A_145 = arith.constant 4 : i32
      %add3A_146 = arith.addi %add3A_144, %add3A_145 : i32
      %lt3A_147 = arith.constant 80 : i32
      %lt3A_148 = arith.cmpi slt, %add3A_146, %lt3A_147 : i32
      %convert_element_type3A_149 = arith.extui %lt3A_148 : i1 to i32
      %cond3A_150 = arith.constant 0 : i32
      %cond3A_151 = arith.cmpi ne, %convert_element_type3A_149, %cond3A_150 : i32
      scf.if %cond3A_151 {
        %add3A_161 = arith.constant 2 : i32
        %add3A_162 = arith.addi %mul3A_59, %add3A_161 : i32
        %mul3A_163 = arith.constant 80 : i32
        %mul3A_164 = arith.muli %add3A_162, %mul3A_163 : i32
        %add3A_165 = arith.addi %mul3A_2, %mul3A_164 : i32
        %dma_wait3A_166 = arith.constant 0 : i32
        %dma_wait3A_167 = tpu.memref_slice %arg4[%add3A_165, %dma_wait3A_166] : memref<204800x64xi32, #tpu.memory_space<hbm>> -> memref<80x64xi32, #tpu.memory_space<hbm>>
        %dma_wait3A_168 = arith.constant 0 : i32
        %dma_wait3A_169 = tpu.memref_slice %arg4[%add3A_165, %dma_wait3A_168] : memref<204800x64xi32, #tpu.memory_space<hbm>> -> memref<80x64xi32, #tpu.memory_space<hbm>>
        tpu.wait_dma2 semaphore(%arg16 : memref<!tpu.dma_semaphore, #tpu.memory_space<semaphore_mem>>) src(%arg8 : memref<80x64xi32, #tpu.memory_space<vmem>>) dst(%dma_wait3A_169 : memref<80x64xi32, #tpu.memory_space<hbm>>)
        %mul3A_170 = arith.constant 80 : i32
        %mul3A_171 = arith.muli %add3A_146, %mul3A_170 : i32
        %dma_start3A_172 = tpu.memref_slice %arg5[%mul3A_171] : memref<6400xi32, #tpu.memory_space<vmem>> -> memref<80xi32, #tpu.memory_space<vmem>>
        %dma_start3A_173 = arith.constant 0 : i32
        %dma_start3A_174 = arith.constant 0 : i32
        %dma_start3A_175 = tpu.memref_slice %arg2[%dma_start3A_173, %dma_start3A_174] : memref<10000x64xi32, #tpu.memory_space<hbm>> -> memref<10000x64xi32, #tpu.memory_space<hbm>>
        tpu.enqueue_indirect_dma source(%dma_start3A_175 : memref<10000x64xi32, #tpu.memory_space<hbm>>) target(%arg8 : memref<80x64xi32, #tpu.memory_space<vmem>>) offsets(%dma_start3A_172 : memref<80xi32, #tpu.memory_space<vmem>>) semaphore(%arg12 : memref<!tpu.dma_semaphore, #tpu.memory_space<semaphore_mem>>)
      } else {
      }
      %add3A_152 = arith.constant 3 : i32
      %add3A_153 = arith.addi %mul3A_59, %add3A_152 : i32
      %add3A_154 = arith.constant 4 : i32
      %add3A_155 = arith.addi %add3A_153, %add3A_154 : i32
      %lt3A_156 = arith.constant 80 : i32
      %lt3A_157 = arith.cmpi slt, %add3A_155, %lt3A_156 : i32
      %convert_element_type3A_158 = arith.extui %lt3A_157 : i1 to i32
      %cond3A_159 = arith.constant 0 : i32
      %cond3A_160 = arith.cmpi ne, %convert_element_type3A_158, %cond3A_159 : i32
      scf.if %cond3A_160 {
        %add3A_161 = arith.constant 3 : i32
        %add3A_162 = arith.addi %mul3A_59, %add3A_161 : i32
        %mul3A_163 = arith.constant 80 : i32
        %mul3A_164 = arith.muli %add3A_162, %mul3A_163 : i32
        %add3A_165 = arith.addi %mul3A_2, %mul3A_164 : i32
        %dma_wait3A_166 = arith.constant 0 : i32
        %dma_wait3A_167 = tpu.memref_slice %arg4[%add3A_165, %dma_wait3A_166] : memref<204800x64xi32, #tpu.memory_space<hbm>> -> memref<80x64xi32, #tpu.memory_space<hbm>>
        %dma_wait3A_168 = arith.constant 0 : i32
        %dma_wait3A_169 = tpu.memref_slice %arg4[%add3A_165, %dma_wait3A_168] : memref<204800x64xi32, #tpu.memory_space<hbm>> -> memref<80x64xi32, #tpu.memory_space<hbm>>
        tpu.wait_dma2 semaphore(%arg17 : memref<!tpu.dma_semaphore, #tpu.memory_space<semaphore_mem>>) src(%arg9 : memref<80x64xi32, #tpu.memory_space<vmem>>) dst(%dma_wait3A_169 : memref<80x64xi32, #tpu.memory_space<hbm>>)
        %mul3A_170 = arith.constant 80 : i32
        %mul3A_171 = arith.muli %add3A_155, %mul3A_170 : i32
        %dma_start3A_172 = tpu.memref_slice %arg5[%mul3A_171] : memref<6400xi32, #tpu.memory_space<vmem>> -> memref<80xi32, #tpu.memory_space<vmem>>
        %dma_start3A_173 = arith.constant 0 : i32
        %dma_start3A_174 = arith.constant 0 : i32
        %dma_start3A_175 = tpu.memref_slice %arg2[%dma_start3A_173, %dma_start3A_174] : memref<10000x64xi32, #tpu.memory_space<hbm>> -> memref<10000x64xi32, #tpu.memory_space<hbm>>
        tpu.enqueue_indirect_dma source(%dma_start3A_175 : memref<10000x64xi32, #tpu.memory_space<hbm>>) target(%arg9 : memref<80x64xi32, #tpu.memory_space<vmem>>) offsets(%dma_start3A_172 : memref<80xi32, #tpu.memory_space<vmem>>) semaphore(%arg13 : memref<!tpu.dma_semaphore, #tpu.memory_space<semaphore_mem>>)
      } else {
      }
    }
    %scan3A_28 = arith.constant 20 : i32
    %add3A_29 = arith.constant 6080 : i32
    %add3A_30 = arith.addi %mul3A_2, %add3A_29 : i32
    %dma_wait3A_31 = arith.constant 0 : i32
    %dma_wait3A_32 = tpu.memref_slice %arg4[%add3A_30, %dma_wait3A_31] : memref<204800x64xi32, #tpu.memory_space<hbm>> -> memref<80x64xi32, #tpu.memory_space<hbm>>
    %dma_wait3A_33 = arith.constant 0 : i32
    %dma_wait3A_34 = tpu.memref_slice %arg4[%add3A_30, %dma_wait3A_33] : memref<204800x64xi32, #tpu.memory_space<hbm>> -> memref<80x64xi32, #tpu.memory_space<hbm>>
    tpu.wait_dma2 semaphore(%arg14 : memref<!tpu.dma_semaphore, #tpu.memory_space<semaphore_mem>>) src(%arg6 : memref<80x64xi32, #tpu.memory_space<vmem>>) dst(%dma_wait3A_34 : memref<80x64xi32, #tpu.memory_space<hbm>>)
    %add3A_35 = arith.constant 6160 : i32
    %add3A_36 = arith.addi %mul3A_2, %add3A_35 : i32
    %dma_wait3A_37 = arith.constant 0 : i32
    %dma_wait3A_38 = tpu.memref_slice %arg4[%add3A_36, %dma_wait3A_37] : memref<204800x64xi32, #tpu.memory_space<hbm>> -> memref<80x64xi32, #tpu.memory_space<hbm>>
    %dma_wait3A_39 = arith.constant 0 : i32
    %dma_wait3A_40 = tpu.memref_slice %arg4[%add3A_36, %dma_wait3A_39] : memref<204800x64xi32, #tpu.memory_space<hbm>> -> memref<80x64xi32, #tpu.memory_space<hbm>>
    tpu.wait_dma2 semaphore(%arg15 : memref<!tpu.dma_semaphore, #tpu.memory_space<semaphore_mem>>) src(%arg7 : memref<80x64xi32, #tpu.memory_space<vmem>>) dst(%dma_wait3A_40 : memref<80x64xi32, #tpu.memory_space<hbm>>)
    %add3A_41 = arith.constant 6240 : i32
    %add3A_42 = arith.addi %mul3A_2, %add3A_41 : i32
    %dma_wait3A_43 = arith.constant 0 : i32
    %dma_wait3A_44 = tpu.memref_slice %arg4[%add3A_42, %dma_wait3A_43] : memref<204800x64xi32, #tpu.memory_space<hbm>> -> memref<80x64xi32, #tpu.memory_space<hbm>>
    %dma_wait3A_45 = arith.constant 0 : i32
    %dma_wait3A_46 = tpu.memref_slice %arg4[%add3A_42, %dma_wait3A_45] : memref<204800x64xi32, #tpu.memory_space<hbm>> -> memref<80x64xi32, #tpu.memory_space<hbm>>
    tpu.wait_dma2 semaphore(%arg16 : memref<!tpu.dma_semaphore, #tpu.memory_space<semaphore_mem>>) src(%arg8 : memref<80x64xi32, #tpu.memory_space<vmem>>) dst(%dma_wait3A_46 : memref<80x64xi32, #tpu.memory_space<hbm>>)
    %add3A_47 = arith.constant 6320 : i32
    %add3A_48 = arith.addi %mul3A_2, %add3A_47 : i32
    %dma_wait3A_49 = arith.constant 0 : i32
    %dma_wait3A_50 = tpu.memref_slice %arg4[%add3A_48, %dma_wait3A_49] : memref<204800x64xi32, #tpu.memory_space<hbm>> -> memref<80x64xi32, #tpu.memory_space<hbm>>
    %dma_wait3A_51 = arith.constant 0 : i32
    %dma_wait3A_52 = tpu.memref_slice %arg4[%add3A_48, %dma_wait3A_51] : memref<204800x64xi32, #tpu.memory_space<hbm>> -> memref<80x64xi32, #tpu.memory_space<hbm>>
    tpu.wait_dma2 semaphore(%arg17 : memref<!tpu.dma_semaphore, #tpu.memory_space<semaphore_mem>>) src(%arg9 : memref<80x64xi32, #tpu.memory_space<vmem>>) dst(%dma_wait3A_52 : memref<80x64xi32, #tpu.memory_space<hbm>>)
    return
  }
}

module attributes {stable_mosaic.version = 14 : i64} {
  func.func @_prep_body(%arg0: i32, %arg1: memref<1x128x10000xf32, #tpu.memory_space<vmem>>, %arg2: memref<128x128xf32, #tpu.memory_space<vmem>>, %arg3: memref<128x128xf32, #tpu.memory_space<vmem>>, %arg4: memref<128x64xf32, #tpu.memory_space<vmem>>, %arg5: memref<128x64xf32, #tpu.memory_space<vmem>>, %arg6: memref<1x128xf32, #tpu.memory_space<vmem>>, %arg7: memref<1x128xf32, #tpu.memory_space<vmem>>, %arg8: memref<10000x128xf32, #tpu.memory_space<vmem>>, %arg9: memref<10000x128xf32, #tpu.memory_space<vmem>>, %arg10: memref<10000x64xi32, #tpu.memory_space<vmem>>, %arg11: memref<4x128xf32, #tpu.memory_space<vmem>>) attributes {dimension_semantics = [#tpu.dimension_semantics<arbitrary>], iteration_bounds = array<i64: 1>, scalar_prefetch = 0 : i64, scratch_operands = 0 : i64, tpu.core_type = #tpu.core_type<tc>, window_params = [{pipeline_mode = #tpu.pipeline_mode<synchronous>, transform_indices = @transform_0, window_bounds = array<i64: 1, 128, 10000>}, {pipeline_mode = #tpu.pipeline_mode<synchronous>, transform_indices = @transform_1, window_bounds = array<i64: 128, 128>}, {pipeline_mode = #tpu.pipeline_mode<synchronous>, transform_indices = @transform_2, window_bounds = array<i64: 128, 128>}, {pipeline_mode = #tpu.pipeline_mode<synchronous>, transform_indices = @transform_3, window_bounds = array<i64: 128, 64>}, {pipeline_mode = #tpu.pipeline_mode<synchronous>, transform_indices = @transform_4, window_bounds = array<i64: 128, 64>}, {pipeline_mode = #tpu.pipeline_mode<synchronous>, transform_indices = @transform_5, window_bounds = array<i64: 1, 128>}, {pipeline_mode = #tpu.pipeline_mode<synchronous>, transform_indices = @transform_6, window_bounds = array<i64: 1, 128>}, {pipeline_mode = #tpu.pipeline_mode<synchronous>, transform_indices = @transform_7, window_bounds = array<i64: 10000, 128>}, {pipeline_mode = #tpu.pipeline_mode<synchronous>, transform_indices = @transform_8, window_bounds = array<i64: 10000, 128>}, {pipeline_mode = #tpu.pipeline_mode<synchronous>, transform_indices = @transform_9, window_bounds = array<i64: 10000, 64>}, {pipeline_mode = #tpu.pipeline_mode<synchronous>, transform_indices = @transform_10, window_bounds = array<i64: 4, 128>}]} {
    %get3A = arith.constant 0 : index
    %get3A_0 = arith.constant 0 : index
    %get3A_1 = arith.constant 0 : index
    %get3A_2 = vector.load %arg1[%get3A, %get3A_0, %get3A_1] : memref<1x128x10000xf32, #tpu.memory_space<vmem>>, vector<1x128x10000xf32>
    %get3A_3 = vector.shape_cast %get3A_2 : vector<1x128x10000xf32> to vector<128x10000xf32>
    %get3A_4 = arith.constant 0 : index
    %get3A_5 = arith.constant 0 : index
    %get3A_6 = vector.load %arg2[%get3A_4, %get3A_5] : memref<128x128xf32, #tpu.memory_space<vmem>>, vector<128x128xf32>
    %dot_general3A = arith.constant dense<0.000000e+00> : vector<10000x128xf32>
    %dot_general3A_7 = tpu.matmul %get3A_3, %get3A_6, %dot_general3A {dimension_numbers = #tpu.dot_dimension_numbers<[0], [0], [1], [1], [0, 1, 1, 1], [], []>, transpose_lhs_hint = false} : vector<128x10000xf32>, vector<128x128xf32>, vector<10000x128xf32> -> vector<10000x128xf32>
    %get3A_8 = arith.constant 0 : index
    %get3A_9 = arith.constant 0 : index
    %get3A_10 = vector.load %arg6[%get3A_8, %get3A_9] : memref<1x128xf32, #tpu.memory_space<vmem>>, vector<1x128xf32>
    %add3A = vector.broadcast %get3A_10 : vector<1x128xf32> to vector<10000x128xf32>
    %add3A_11 = arith.addf %dot_general3A_7, %add3A : vector<10000x128xf32>
    %get3A_12 = arith.constant 0 : index
    %get3A_13 = arith.constant 0 : index
    %get3A_14 = vector.load %arg3[%get3A_12, %get3A_13] : memref<128x128xf32, #tpu.memory_space<vmem>>, vector<128x128xf32>
    %dot_general3A_15 = arith.constant dense<0.000000e+00> : vector<10000x128xf32>
    %dot_general3A_16 = tpu.matmul %get3A_3, %get3A_14, %dot_general3A_15 {dimension_numbers = #tpu.dot_dimension_numbers<[0], [0], [1], [1], [0, 1, 1, 1], [], []>, transpose_lhs_hint = false} : vector<128x10000xf32>, vector<128x128xf32>, vector<10000x128xf32> -> vector<10000x128xf32>
    %get3A_17 = arith.constant 0 : index
    %get3A_18 = arith.constant 0 : index
    %get3A_19 = vector.load %arg7[%get3A_17, %get3A_18] : memref<1x128xf32, #tpu.memory_space<vmem>>, vector<1x128xf32>
    %add3A_20 = vector.broadcast %get3A_19 : vector<1x128xf32> to vector<10000x128xf32>
    %add3A_21 = arith.addf %dot_general3A_16, %add3A_20 : vector<10000x128xf32>
    %swap3A = arith.constant 0 : index
    %swap3A_22 = arith.constant 0 : index
    %swap3A_23 = vector.load %arg8[%swap3A, %swap3A_22] : memref<10000x128xf32, #tpu.memory_space<vmem>>, vector<10000x128xf32>
    tpu.vector_store %arg8[%swap3A, %swap3A_22], %add3A_11 {strides = array<i32>} : memref<10000x128xf32, #tpu.memory_space<vmem>>, vector<10000x128xf32>,
    %swap3A_24 = arith.constant 0 : index
    %swap3A_25 = arith.constant 0 : index
    %swap3A_26 = vector.load %arg9[%swap3A_24, %swap3A_25] : memref<10000x128xf32, #tpu.memory_space<vmem>>, vector<10000x128xf32>
    tpu.vector_store %arg9[%swap3A_24, %swap3A_25], %add3A_21 {strides = array<i32>} : memref<10000x128xf32, #tpu.memory_space<vmem>>, vector<10000x128xf32>,
    %get3A_27 = arith.constant 0 : index
    %get3A_28 = arith.constant 0 : index
    %get3A_29 = vector.load %arg4[%get3A_27, %get3A_28] : memref<128x64xf32, #tpu.memory_space<vmem>>, vector<128x64xf32>
    %dot_general3A_30 = arith.constant dense<0.000000e+00> : vector<10000x64xf32>
    %dot_general3A_31 = tpu.matmul %get3A_3, %get3A_29, %dot_general3A_30 {dimension_numbers = #tpu.dot_dimension_numbers<[0], [0], [1], [1], [0, 1, 1, 1], [], []>, transpose_lhs_hint = false} : vector<128x10000xf32>, vector<128x64xf32>, vector<10000x64xf32> -> vector<10000x64xf32>
    %convert_element_type3A = arith.truncf %dot_general3A_31 : vector<10000x64xf32> to vector<10000x64xbf16>
    %get3A_32 = arith.constant 0 : index
    %get3A_33 = arith.constant 0 : index
    %get3A_34 = vector.load %arg5[%get3A_32, %get3A_33] : memref<128x64xf32, #tpu.memory_space<vmem>>, vector<128x64xf32>
    %dot_general3A_35 = arith.constant dense<0.000000e+00> : vector<10000x64xf32>
    %dot_general3A_36 = tpu.matmul %get3A_3, %get3A_34, %dot_general3A_35 {dimension_numbers = #tpu.dot_dimension_numbers<[0], [0], [1], [1], [0, 1, 1, 1], [], []>, transpose_lhs_hint = false} : vector<128x10000xf32>, vector<128x64xf32>, vector<10000x64xf32> -> vector<10000x64xf32>
    %convert_element_type3A_37 = arith.truncf %dot_general3A_36 : vector<10000x64xf32> to vector<10000x64xbf16>
    %bitcast_convert_type3A = tpu.bitcast %convert_element_type3A : vector<10000x64xbf16> -> vector<10000x64xi16>
    %convert_element_type3A_38 = arith.extui %bitcast_convert_type3A : vector<10000x64xi16> to vector<10000x64xi32>
    %bitcast_convert_type3A_39 = tpu.bitcast %convert_element_type3A_37 : vector<10000x64xbf16> -> vector<10000x64xi16>
    %convert_element_type3A_40 = arith.extui %bitcast_convert_type3A_39 : vector<10000x64xi16> to vector<10000x64xi32>
    %shift_left3A = arith.constant 16 : i32
    %shift_left3A_41 = vector.broadcast %shift_left3A : i32 to vector<10000x64xi32>
    %shift_left3A_42 = arith.shli %convert_element_type3A_40, %shift_left3A_41 : vector<10000x64xi32>
    %or3A = arith.ori %convert_element_type3A_38, %shift_left3A_42 : vector<10000x64xi32>
    %bitcast_convert_type3A_43 = tpu.bitcast %or3A : vector<10000x64xi32> -> vector<10000x64xi32>
    %swap3A_44 = arith.constant 0 : index
    %swap3A_45 = arith.constant 0 : index
    %swap3A_46 = vector.load %arg10[%swap3A_44, %swap3A_45] : memref<10000x64xi32, #tpu.memory_space<vmem>>, vector<10000x64xi32>
    tpu.vector_store %arg10[%swap3A_44, %swap3A_45], %bitcast_convert_type3A_43 {strides = array<i32>} : memref<10000x64xi32, #tpu.memory_space<vmem>>, vector<10000x64xi32>,
    %reduce_sum3A = arith.constant dense<0.000000e+00> : vector<128xf32>
    %reduce_sum3A_47 = vector.multi_reduction <add>, %add3A_11, %reduce_sum3A [0] : vector<10000x128xf32> to vector<128xf32>
    %mul3A = arith.mulf %add3A_11, %add3A_11 : vector<10000x128xf32>
    %reduce_sum3A_48 = arith.constant dense<0.000000e+00> : vector<128xf32>
    %reduce_sum3A_49 = vector.multi_reduction <add>, %mul3A, %reduce_sum3A_48 [0] : vector<10000x128xf32> to vector<128xf32>
    %reduce_sum3A_50 = arith.constant dense<0.000000e+00> : vector<128xf32>
    %reduce_sum3A_51 = vector.multi_reduction <add>, %add3A_21, %reduce_sum3A_50 [0] : vector<10000x128xf32> to vector<128xf32>
    %mul3A_52 = arith.mulf %add3A_21, %add3A_21 : vector<10000x128xf32>
    %reduce_sum3A_53 = arith.constant dense<0.000000e+00> : vector<128xf32>
    %reduce_sum3A_54 = vector.multi_reduction <add>, %mul3A_52, %reduce_sum3A_53 [0] : vector<10000x128xf32> to vector<128xf32>
    %stack3A = vector.shape_cast %reduce_sum3A_47 : vector<128xf32> to vector<1x128xf32>
    %stack3A_55 = vector.shape_cast %reduce_sum3A_49 : vector<128xf32> to vector<1x128xf32>
    %stack3A_56 = vector.shape_cast %reduce_sum3A_51 : vector<128xf32> to vector<1x128xf32>
    %stack3A_57 = vector.shape_cast %reduce_sum3A_54 : vector<128xf32> to vector<1x128xf32>
    %stack3A_58 = tpu.concatenate %stack3A, %stack3A_55, %stack3A_56, %stack3A_57 in 0 : vector<1x128xf32>, vector<1x128xf32>, vector<1x128xf32>, vector<1x128xf32> -> vector<4x128xf32>
    %swap3A_59 = arith.constant 0 : index
    %swap3A_60 = arith.constant 0 : index
    %swap3A_61 = vector.load %arg11[%swap3A_59, %swap3A_60] : memref<4x128xf32, #tpu.memory_space<vmem>>, vector<4x128xf32>
    tpu.vector_store %arg11[%swap3A_59, %swap3A_60], %stack3A_58 {strides = array<i32>} : memref<4x128xf32, #tpu.memory_space<vmem>>, vector<4x128xf32>,
    return
  }
  func.func @transform_0(%arg0: i32) -> (i32, i32, i32) {
    %c0_i32 = arith.constant 0 : i32
    %c0_i32_0 = arith.constant 0 : i32
    %c0_i32_1 = arith.constant 0 : i32
    %c0_i32_2 = arith.constant 0 : i32
    return %c0_i32, %c0_i32_0, %c0_i32_1 : i32, i32, i32
  }
  func.func @transform_1(%arg0: i32) -> (i32, i32) {
    %c0_i32 = arith.constant 0 : i32
    %c0_i32_0 = arith.constant 0 : i32
    %c0_i32_1 = arith.constant 0 : i32
    return %c0_i32, %c0_i32_0 : i32, i32
  }
  func.func @transform_2(%arg0: i32) -> (i32, i32) {
    %c0_i32 = arith.constant 0 : i32
    %c0_i32_0 = arith.constant 0 : i32
    %c0_i32_1 = arith.constant 0 : i32
    return %c0_i32, %c0_i32_0 : i32, i32
  }
  func.func @transform_3(%arg0: i32) -> (i32, i32) {
    %c0_i32 = arith.constant 0 : i32
    %c0_i32_0 = arith.constant 0 : i32
    %c0_i32_1 = arith.constant 0 : i32
    return %c0_i32, %c0_i32_0 : i32, i32
  }
  func.func @transform_4(%arg0: i32) -> (i32, i32) {
    %c0_i32 = arith.constant 0 : i32
    %c0_i32_0 = arith.constant 0 : i32
    %c0_i32_1 = arith.constant 0 : i32
    return %c0_i32, %c0_i32_0 : i32, i32
  }
  func.func @transform_5(%arg0: i32) -> (i32, i32) {
    %c0_i32 = arith.constant 0 : i32
    %c0_i32_0 = arith.constant 0 : i32
    %c0_i32_1 = arith.constant 0 : i32
    return %c0_i32, %c0_i32_0 : i32, i32
  }
  func.func @transform_6(%arg0: i32) -> (i32, i32) {
    %c0_i32 = arith.constant 0 : i32
    %c0_i32_0 = arith.constant 0 : i32
    %c0_i32_1 = arith.constant 0 : i32
    return %c0_i32, %c0_i32_0 : i32, i32
  }
  func.func @transform_7(%arg0: i32) -> (i32, i32) {
    %c0_i32 = arith.constant 0 : i32
    %c0_i32_0 = arith.constant 0 : i32
    %c0_i32_1 = arith.constant 0 : i32
    return %c0_i32, %c0_i32_0 : i32, i32
  }
  func.func @transform_8(%arg0: i32) -> (i32, i32) {
    %c0_i32 = arith.constant 0 : i32
    %c0_i32_0 = arith.constant 0 : i32
    %c0_i32_1 = arith.constant 0 : i32
    return %c0_i32, %c0_i32_0 : i32, i32
  }
  func.func @transform_9(%arg0: i32) -> (i32, i32) {
    %c0_i32 = arith.constant 0 : i32
    %c0_i32_0 = arith.constant 0 : i32
    %c0_i32_1 = arith.constant 0 : i32
    return %c0_i32, %c0_i32_0 : i32, i32
  }
  func.func @transform_10(%arg0: i32) -> (i32, i32) {
    %c0_i32 = arith.constant 0 : i32
    %c0_i32_0 = arith.constant 0 : i32
    %c0_i32_1 = arith.constant 0 : i32
    return %c0_i32, %c0_i32_0 : i32, i32
  }
}

module attributes {stable_mosaic.version = 14 : i64} {
  func.func @_stats1_body(%arg0: i32, %arg1: memref<6400x128xi32, #tpu.memory_space<vmem>>, %arg2: memref<400x128xf32, #tpu.memory_space<vmem>>, %arg3: memref<400x128xf32, #tpu.memory_space<vmem>>, %arg4: memref<6x128xf32, #tpu.memory_space<vmem>>) attributes {dimension_semantics = [#tpu.dimension_semantics<arbitrary>], iteration_bounds = array<i64: 16>, scalar_prefetch = 0 : i64, scratch_operands = 0 : i64, tpu.core_type = #tpu.core_type<tc>, window_params = [{transform_indices = @transform_0, window_bounds = array<i64: 6400, 128>}, {transform_indices = @transform_1, window_bounds = array<i64: 400, 128>}, {transform_indices = @transform_2, window_bounds = array<i64: 400, 128>}, {pipeline_mode = #tpu.pipeline_mode<synchronous>, transform_indices = @transform_3, window_bounds = array<i64: 6, 128>}]} {
    %eq3A = arith.constant 0 : i32
    %eq3A_0 = arith.cmpi eq, %arg0, %eq3A : i32
    %convert_element_type3A = arith.extui %eq3A_0 : i1 to i32
    %cond3A = arith.constant 0 : i32
    %cond3A_1 = arith.cmpi ne, %convert_element_type3A, %cond3A : i32
    scf.if %cond3A_1 {
      %broadcast_in_dim3A = arith.constant 0.000000e+00 : f32
      %broadcast_in_dim3A_45 = vector.broadcast %broadcast_in_dim3A : f32 to vector<6x128xf32>
      %swap3A_46 = arith.constant 0 : index
      %swap3A_47 = arith.constant 0 : index
      %swap3A_48 = vector.load %arg4[%swap3A_46, %swap3A_47] : memref<6x128xf32, #tpu.memory_space<vmem>>, vector<6x128xf32>
      tpu.vector_store %arg4[%swap3A_46, %swap3A_47], %broadcast_in_dim3A_45 {strides = array<i32>} : memref<6x128xf32, #tpu.memory_space<vmem>>, vector<6x128xf32>,
    } else {
    }
    %get3A = arith.constant 0 : index
    %get3A_2 = arith.constant 0 : index
    %get3A_3 = vector.load %arg1[%get3A, %get3A_2] : memref<6400x128xi32, #tpu.memory_space<vmem>>, vector<6400x128xi32>
    %shift_left3A = arith.constant 16 : i32
    %shift_left3A_4 = vector.broadcast %shift_left3A : i32 to vector<6400x128xi32>
    %shift_left3A_5 = arith.shli %get3A_3, %shift_left3A_4 : vector<6400x128xi32>
    %bitcast_convert_type3A = tpu.bitcast %shift_left3A_5 : vector<6400x128xi32> -> vector<6400x128xf32>
    %and3A = arith.constant -65536 : i32
    %and3A_6 = vector.broadcast %and3A : i32 to vector<6400x128xi32>
    %and3A_7 = arith.andi %get3A_3, %and3A_6 : vector<6400x128xi32>
    %bitcast_convert_type3A_8 = tpu.bitcast %and3A_7 : vector<6400x128xi32> -> vector<6400x128xf32>
    %reshape3A = vector.shape_cast %bitcast_convert_type3A : vector<6400x128xf32> to vector<400x16x128xf32>
    %reduce_sum3A = arith.constant dense<0.000000e+00> : vector<400x128xf32>
    %reduce_sum3A_9 = vector.multi_reduction <add>, %reshape3A, %reduce_sum3A [1] : vector<400x16x128xf32> to vector<400x128xf32>
    %reshape3A_10 = vector.shape_cast %bitcast_convert_type3A_8 : vector<6400x128xf32> to vector<400x16x128xf32>
    %reduce_sum3A_11 = arith.constant dense<0.000000e+00> : vector<400x128xf32>
    %reduce_sum3A_12 = vector.multi_reduction <add>, %reshape3A_10, %reduce_sum3A_11 [1] : vector<400x16x128xf32> to vector<400x128xf32>
    %get3A_13 = arith.constant 0 : index
    %get3A_14 = arith.constant 0 : index
    %get3A_15 = vector.load %arg4[%get3A_13, %get3A_14] : memref<6x128xf32, #tpu.memory_space<vmem>>, vector<6x128xf32>
    %reduce_sum3A_16 = arith.constant dense<0.000000e+00> : vector<128xf32>
    %reduce_sum3A_17 = vector.multi_reduction <add>, %reduce_sum3A_9, %reduce_sum3A_16 [0] : vector<400x128xf32> to vector<128xf32>
    %mul3A = arith.mulf %bitcast_convert_type3A, %bitcast_convert_type3A : vector<6400x128xf32>
    %reduce_sum3A_18 = arith.constant dense<0.000000e+00> : vector<128xf32>
    %reduce_sum3A_19 = vector.multi_reduction <add>, %mul3A, %reduce_sum3A_18 [0] : vector<6400x128xf32> to vector<128xf32>
    %get3A_20 = arith.constant 0 : index
    %get3A_21 = arith.constant 0 : index
    %get3A_22 = vector.load %arg2[%get3A_20, %get3A_21] : memref<400x128xf32, #tpu.memory_space<vmem>>, vector<400x128xf32>
    %mul3A_23 = arith.mulf %get3A_22, %reduce_sum3A_9 : vector<400x128xf32>
    %reduce_sum3A_24 = arith.constant dense<0.000000e+00> : vector<128xf32>
    %reduce_sum3A_25 = vector.multi_reduction <add>, %mul3A_23, %reduce_sum3A_24 [0] : vector<400x128xf32> to vector<128xf32>
    %reduce_sum3A_26 = arith.constant dense<0.000000e+00> : vector<128xf32>
    %reduce_sum3A_27 = vector.multi_reduction <add>, %reduce_sum3A_12, %reduce_sum3A_26 [0] : vector<400x128xf32> to vector<128xf32>
    %mul3A_28 = arith.mulf %bitcast_convert_type3A_8, %bitcast_convert_type3A_8 : vector<6400x128xf32>
    %reduce_sum3A_29 = arith.constant dense<0.000000e+00> : vector<128xf32>
    %reduce_sum3A_30 = vector.multi_reduction <add>, %mul3A_28, %reduce_sum3A_29 [0] : vector<6400x128xf32> to vector<128xf32>
    %get3A_31 = arith.constant 0 : index
    %get3A_32 = arith.constant 0 : index
    %get3A_33 = vector.load %arg3[%get3A_31, %get3A_32] : memref<400x128xf32, #tpu.memory_space<vmem>>, vector<400x128xf32>
    %mul3A_34 = arith.mulf %get3A_33, %reduce_sum3A_12 : vector<400x128xf32>
    %reduce_sum3A_35 = arith.constant dense<0.000000e+00> : vector<128xf32>
    %reduce_sum3A_36 = vector.multi_reduction <add>, %mul3A_34, %reduce_sum3A_35 [0] : vector<400x128xf32> to vector<128xf32>
    %stack3A = vector.shape_cast %reduce_sum3A_17 : vector<128xf32> to vector<1x128xf32>
    %stack3A_37 = vector.shape_cast %reduce_sum3A_19 : vector<128xf32> to vector<1x128xf32>
    %stack3A_38 = vector.shape_cast %reduce_sum3A_25 : vector<128xf32> to vector<1x128xf32>
    %stack3A_39 = vector.shape_cast %reduce_sum3A_27 : vector<128xf32> to vector<1x128xf32>
    %stack3A_40 = vector.shape_cast %reduce_sum3A_30 : vector<128xf32> to vector<1x128xf32>
    %stack3A_41 = vector.shape_cast %reduce_sum3A_36 : vector<128xf32> to vector<1x128xf32>
    %stack3A_42 = tpu.concatenate %stack3A, %stack3A_37, %stack3A_38, %stack3A_39, %stack3A_40, %stack3A_41 in 0 : vector<1x128xf32>, vector<1x128xf32>, vector<1x128xf32>, vector<1x128xf32>, vector<1x128xf32>, vector<1x128xf32> -> vector<6x128xf32>
    %add3A = arith.addf %get3A_15, %stack3A_42 : vector<6x128xf32>
    %swap3A = arith.constant 0 : index
    %swap3A_43 = arith.constant 0 : index
    %swap3A_44 = vector.load %arg4[%swap3A, %swap3A_43] : memref<6x128xf32, #tpu.memory_space<vmem>>, vector<6x128xf32>
    tpu.vector_store %arg4[%swap3A, %swap3A_43], %add3A {strides = array<i32>} : memref<6x128xf32, #tpu.memory_space<vmem>>, vector<6x128xf32>,
    return
  }
  func.func @transform_0(%arg0: i32) -> (i32, i32) {
    %c0_i32 = arith.constant 0 : i32
    %c0_i32_0 = arith.constant 0 : i32
    return %arg0, %c0_i32 : i32, i32
  }
  func.func @transform_1(%arg0: i32) -> (i32, i32) {
    %add3A = arith.constant 0 : i32
    %add3A_0 = arith.addi %arg0, %add3A : i32
    %c0_i32 = arith.constant 0 : i32
    %c0_i32_1 = arith.constant 0 : i32
    return %add3A_0, %c0_i32 : i32, i32
  }
  func.func @transform_2(%arg0: i32) -> (i32, i32) {
    %add3A = arith.constant 0 : i32
    %add3A_0 = arith.addi %arg0, %add3A : i32
    %c0_i32 = arith.constant 0 : i32
    %c0_i32_1 = arith.constant 0 : i32
    return %add3A_0, %c0_i32 : i32, i32
  }
  func.func @transform_3(%arg0: i32) -> (i32, i32) {
    %c0_i32 = arith.constant 0 : i32
    %c0_i32_0 = arith.constant 0 : i32
    %c0_i32_1 = arith.constant 0 : i32
    return %c0_i32, %c0_i32_0 : i32, i32
  }
}

module attributes {stable_mosaic.version = 14 : i64} {
  func.func @_stats1_body(%arg0: i32, %arg1: memref<6400x128xi32, #tpu.memory_space<vmem>>, %arg2: memref<400x128xf32, #tpu.memory_space<vmem>>, %arg3: memref<400x128xf32, #tpu.memory_space<vmem>>, %arg4: memref<6x128xf32, #tpu.memory_space<vmem>>) attributes {dimension_semantics = [#tpu.dimension_semantics<arbitrary>], iteration_bounds = array<i64: 9>, scalar_prefetch = 0 : i64, scratch_operands = 0 : i64, tpu.core_type = #tpu.core_type<tc>, window_params = [{transform_indices = @transform_0, window_bounds = array<i64: 6400, 128>}, {transform_indices = @transform_1, window_bounds = array<i64: 400, 128>}, {transform_indices = @transform_2, window_bounds = array<i64: 400, 128>}, {pipeline_mode = #tpu.pipeline_mode<synchronous>, transform_indices = @transform_3, window_bounds = array<i64: 6, 128>}]} {
    %eq3A = arith.constant 0 : i32
    %eq3A_0 = arith.cmpi eq, %arg0, %eq3A : i32
    %convert_element_type3A = arith.extui %eq3A_0 : i1 to i32
    %cond3A = arith.constant 0 : i32
    %cond3A_1 = arith.cmpi ne, %convert_element_type3A, %cond3A : i32
    scf.if %cond3A_1 {
      %broadcast_in_dim3A = arith.constant 0.000000e+00 : f32
      %broadcast_in_dim3A_45 = vector.broadcast %broadcast_in_dim3A : f32 to vector<6x128xf32>
      %swap3A_46 = arith.constant 0 : index
      %swap3A_47 = arith.constant 0 : index
      %swap3A_48 = vector.load %arg4[%swap3A_46, %swap3A_47] : memref<6x128xf32, #tpu.memory_space<vmem>>, vector<6x128xf32>
      tpu.vector_store %arg4[%swap3A_46, %swap3A_47], %broadcast_in_dim3A_45 {strides = array<i32>} : memref<6x128xf32, #tpu.memory_space<vmem>>, vector<6x128xf32>,
    } else {
    }
    %get3A = arith.constant 0 : index
    %get3A_2 = arith.constant 0 : index
    %get3A_3 = vector.load %arg1[%get3A, %get3A_2] : memref<6400x128xi32, #tpu.memory_space<vmem>>, vector<6400x128xi32>
    %shift_left3A = arith.constant 16 : i32
    %shift_left3A_4 = vector.broadcast %shift_left3A : i32 to vector<6400x128xi32>
    %shift_left3A_5 = arith.shli %get3A_3, %shift_left3A_4 : vector<6400x128xi32>
    %bitcast_convert_type3A = tpu.bitcast %shift_left3A_5 : vector<6400x128xi32> -> vector<6400x128xf32>
    %and3A = arith.constant -65536 : i32
    %and3A_6 = vector.broadcast %and3A : i32 to vector<6400x128xi32>
    %and3A_7 = arith.andi %get3A_3, %and3A_6 : vector<6400x128xi32>
    %bitcast_convert_type3A_8 = tpu.bitcast %and3A_7 : vector<6400x128xi32> -> vector<6400x128xf32>
    %reshape3A = vector.shape_cast %bitcast_convert_type3A : vector<6400x128xf32> to vector<400x16x128xf32>
    %reduce_sum3A = arith.constant dense<0.000000e+00> : vector<400x128xf32>
    %reduce_sum3A_9 = vector.multi_reduction <add>, %reshape3A, %reduce_sum3A [1] : vector<400x16x128xf32> to vector<400x128xf32>
    %reshape3A_10 = vector.shape_cast %bitcast_convert_type3A_8 : vector<6400x128xf32> to vector<400x16x128xf32>
    %reduce_sum3A_11 = arith.constant dense<0.000000e+00> : vector<400x128xf32>
    %reduce_sum3A_12 = vector.multi_reduction <add>, %reshape3A_10, %reduce_sum3A_11 [1] : vector<400x16x128xf32> to vector<400x128xf32>
    %get3A_13 = arith.constant 0 : index
    %get3A_14 = arith.constant 0 : index
    %get3A_15 = vector.load %arg4[%get3A_13, %get3A_14] : memref<6x128xf32, #tpu.memory_space<vmem>>, vector<6x128xf32>
    %reduce_sum3A_16 = arith.constant dense<0.000000e+00> : vector<128xf32>
    %reduce_sum3A_17 = vector.multi_reduction <add>, %reduce_sum3A_9, %reduce_sum3A_16 [0] : vector<400x128xf32> to vector<128xf32>
    %mul3A = arith.mulf %bitcast_convert_type3A, %bitcast_convert_type3A : vector<6400x128xf32>
    %reduce_sum3A_18 = arith.constant dense<0.000000e+00> : vector<128xf32>
    %reduce_sum3A_19 = vector.multi_reduction <add>, %mul3A, %reduce_sum3A_18 [0] : vector<6400x128xf32> to vector<128xf32>
    %get3A_20 = arith.constant 0 : index
    %get3A_21 = arith.constant 0 : index
    %get3A_22 = vector.load %arg2[%get3A_20, %get3A_21] : memref<400x128xf32, #tpu.memory_space<vmem>>, vector<400x128xf32>
    %mul3A_23 = arith.mulf %get3A_22, %reduce_sum3A_9 : vector<400x128xf32>
    %reduce_sum3A_24 = arith.constant dense<0.000000e+00> : vector<128xf32>
    %reduce_sum3A_25 = vector.multi_reduction <add>, %mul3A_23, %reduce_sum3A_24 [0] : vector<400x128xf32> to vector<128xf32>
    %reduce_sum3A_26 = arith.constant dense<0.000000e+00> : vector<128xf32>
    %reduce_sum3A_27 = vector.multi_reduction <add>, %reduce_sum3A_12, %reduce_sum3A_26 [0] : vector<400x128xf32> to vector<128xf32>
    %mul3A_28 = arith.mulf %bitcast_convert_type3A_8, %bitcast_convert_type3A_8 : vector<6400x128xf32>
    %reduce_sum3A_29 = arith.constant dense<0.000000e+00> : vector<128xf32>
    %reduce_sum3A_30 = vector.multi_reduction <add>, %mul3A_28, %reduce_sum3A_29 [0] : vector<6400x128xf32> to vector<128xf32>
    %get3A_31 = arith.constant 0 : index
    %get3A_32 = arith.constant 0 : index
    %get3A_33 = vector.load %arg3[%get3A_31, %get3A_32] : memref<400x128xf32, #tpu.memory_space<vmem>>, vector<400x128xf32>
    %mul3A_34 = arith.mulf %get3A_33, %reduce_sum3A_12 : vector<400x128xf32>
    %reduce_sum3A_35 = arith.constant dense<0.000000e+00> : vector<128xf32>
    %reduce_sum3A_36 = vector.multi_reduction <add>, %mul3A_34, %reduce_sum3A_35 [0] : vector<400x128xf32> to vector<128xf32>
    %stack3A = vector.shape_cast %reduce_sum3A_17 : vector<128xf32> to vector<1x128xf32>
    %stack3A_37 = vector.shape_cast %reduce_sum3A_19 : vector<128xf32> to vector<1x128xf32>
    %stack3A_38 = vector.shape_cast %reduce_sum3A_25 : vector<128xf32> to vector<1x128xf32>
    %stack3A_39 = vector.shape_cast %reduce_sum3A_27 : vector<128xf32> to vector<1x128xf32>
    %stack3A_40 = vector.shape_cast %reduce_sum3A_30 : vector<128xf32> to vector<1x128xf32>
    %stack3A_41 = vector.shape_cast %reduce_sum3A_36 : vector<128xf32> to vector<1x128xf32>
    %stack3A_42 = tpu.concatenate %stack3A, %stack3A_37, %stack3A_38, %stack3A_39, %stack3A_40, %stack3A_41 in 0 : vector<1x128xf32>, vector<1x128xf32>, vector<1x128xf32>, vector<1x128xf32>, vector<1x128xf32>, vector<1x128xf32> -> vector<6x128xf32>
    %add3A = arith.addf %get3A_15, %stack3A_42 : vector<6x128xf32>
    %swap3A = arith.constant 0 : index
    %swap3A_43 = arith.constant 0 : index
    %swap3A_44 = vector.load %arg4[%swap3A, %swap3A_43] : memref<6x128xf32, #tpu.memory_space<vmem>>, vector<6x128xf32>
    tpu.vector_store %arg4[%swap3A, %swap3A_43], %add3A {strides = array<i32>} : memref<6x128xf32, #tpu.memory_space<vmem>>, vector<6x128xf32>,
    return
  }
  func.func @transform_0(%arg0: i32) -> (i32, i32) {
    %c0_i32 = arith.constant 0 : i32
    %c0_i32_0 = arith.constant 0 : i32
    return %arg0, %c0_i32 : i32, i32
  }
  func.func @transform_1(%arg0: i32) -> (i32, i32) {
    %add3A = arith.constant 16 : i32
    %add3A_0 = arith.addi %arg0, %add3A : i32
    %c0_i32 = arith.constant 0 : i32
    %c0_i32_1 = arith.constant 0 : i32
    return %add3A_0, %c0_i32 : i32, i32
  }
  func.func @transform_2(%arg0: i32) -> (i32, i32) {
    %add3A = arith.constant 16 : i32
    %add3A_0 = arith.addi %arg0, %add3A : i32
    %c0_i32 = arith.constant 0 : i32
    %c0_i32_1 = arith.constant 0 : i32
    return %add3A_0, %c0_i32 : i32, i32
  }
  func.func @transform_3(%arg0: i32) -> (i32, i32) {
    %c0_i32 = arith.constant 0 : i32
    %c0_i32_0 = arith.constant 0 : i32
    %c0_i32_1 = arith.constant 0 : i32
    return %c0_i32, %c0_i32_0 : i32, i32
  }
}

module attributes {stable_mosaic.version = 14 : i64} {
  func.func @_main_body(%arg0: i32, %arg1: memref<6400x128xi32, #tpu.memory_space<vmem>>, %arg2: memref<400x128xf32, #tpu.memory_space<vmem>>, %arg3: memref<400x128xf32, #tpu.memory_space<vmem>>, %arg4: memref<1x128xf32, #tpu.memory_space<vmem>>, %arg5: memref<1x128xf32, #tpu.memory_space<vmem>>, %arg6: memref<1x128xf32, #tpu.memory_space<vmem>>, %arg7: memref<1x128xf32, #tpu.memory_space<vmem>>, %arg8: memref<128x256xf32, #tpu.memory_space<vmem>>, %arg9: memref<128x256xf32, #tpu.memory_space<vmem>>, %arg10: memref<1x256xf32, #tpu.memory_space<vmem>>, %arg11: memref<400x256xf32, #tpu.memory_space<vmem>>, %arg12: memref<2x256xf32, #tpu.memory_space<vmem>>) attributes {dimension_semantics = [#tpu.dimension_semantics<arbitrary>], iteration_bounds = array<i64: 9>, scalar_prefetch = 0 : i64, scratch_operands = 0 : i64, tpu.core_type = #tpu.core_type<tc>, window_params = [{transform_indices = @transform_0, window_bounds = array<i64: 6400, 128>}, {transform_indices = @transform_1, window_bounds = array<i64: 400, 128>}, {transform_indices = @transform_2, window_bounds = array<i64: 400, 128>}, {pipeline_mode = #tpu.pipeline_mode<synchronous>, transform_indices = @transform_3, window_bounds = array<i64: 1, 128>}, {pipeline_mode = #tpu.pipeline_mode<synchronous>, transform_indices = @transform_4, window_bounds = array<i64: 1, 128>}, {pipeline_mode = #tpu.pipeline_mode<synchronous>, transform_indices = @transform_5, window_bounds = array<i64: 1, 128>}, {pipeline_mode = #tpu.pipeline_mode<synchronous>, transform_indices = @transform_6, window_bounds = array<i64: 1, 128>}, {pipeline_mode = #tpu.pipeline_mode<synchronous>, transform_indices = @transform_7, window_bounds = array<i64: 128, 256>}, {pipeline_mode = #tpu.pipeline_mode<synchronous>, transform_indices = @transform_8, window_bounds = array<i64: 128, 256>}, {pipeline_mode = #tpu.pipeline_mode<synchronous>, transform_indices = @transform_9, window_bounds = array<i64: 1, 256>}, {transform_indices = @transform_10, window_bounds = array<i64: 400, 256>}, {pipeline_mode = #tpu.pipeline_mode<synchronous>, transform_indices = @transform_11, window_bounds = array<i64: 2, 256>}]} {
    %eq3A = arith.constant 0 : i32
    %eq3A_0 = arith.cmpi eq, %arg0, %eq3A : i32
    %convert_element_type3A = arith.extui %eq3A_0 : i1 to i32
    %cond3A = arith.constant 0 : i32
    %cond3A_1 = arith.cmpi ne, %convert_element_type3A, %cond3A : i32
    scf.if %cond3A_1 {
      %broadcast_in_dim3A_84 = arith.constant 0.000000e+00 : f32
      %broadcast_in_dim3A_85 = vector.broadcast %broadcast_in_dim3A_84 : f32 to vector<2x256xf32>
      %swap3A_86 = arith.constant 0 : index
      %swap3A_87 = arith.constant 0 : index
      %swap3A_88 = vector.load %arg12[%swap3A_86, %swap3A_87] : memref<2x256xf32, #tpu.memory_space<vmem>>, vector<2x256xf32>
      tpu.vector_store %arg12[%swap3A_86, %swap3A_87], %broadcast_in_dim3A_85 {strides = array<i32>} : memref<2x256xf32, #tpu.memory_space<vmem>>, vector<2x256xf32>,
    } else {
    }
    %get3A = arith.constant 0 : index
    %get3A_2 = arith.constant 0 : index
    %get3A_3 = vector.load %arg1[%get3A, %get3A_2] : memref<6400x128xi32, #tpu.memory_space<vmem>>, vector<6400x128xi32>
    %shift_left3A = arith.constant 16 : i32
    %shift_left3A_4 = vector.broadcast %shift_left3A : i32 to vector<6400x128xi32>
    %shift_left3A_5 = arith.shli %get3A_3, %shift_left3A_4 : vector<6400x128xi32>
    %bitcast_convert_type3A = tpu.bitcast %shift_left3A_5 : vector<6400x128xi32> -> vector<6400x128xf32>
    %and3A = arith.constant -65536 : i32
    %and3A_6 = vector.broadcast %and3A : i32 to vector<6400x128xi32>
    %and3A_7 = arith.andi %get3A_3, %and3A_6 : vector<6400x128xi32>
    %bitcast_convert_type3A_8 = tpu.bitcast %and3A_7 : vector<6400x128xi32> -> vector<6400x128xf32>
    %get3A_9 = arith.constant 0 : index
    %get3A_10 = arith.constant 0 : index
    %get3A_11 = vector.load %arg4[%get3A_9, %get3A_10] : memref<1x128xf32, #tpu.memory_space<vmem>>, vector<1x128xf32>
    %get3A_12 = arith.constant 0 : index
    %get3A_13 = arith.constant 0 : index
    %get3A_14 = vector.load %arg6[%get3A_12, %get3A_13] : memref<1x128xf32, #tpu.memory_space<vmem>>, vector<1x128xf32>
    %get3A_15 = arith.constant 0 : index
    %get3A_16 = arith.constant 0 : index
    %get3A_17 = vector.load %arg2[%get3A_15, %get3A_16] : memref<400x128xf32, #tpu.memory_space<vmem>>, vector<400x128xf32>
    %mul3A = vector.broadcast %get3A_11 : vector<1x128xf32> to vector<400x128xf32>
    %mul3A_18 = arith.mulf %mul3A, %get3A_17 : vector<400x128xf32>
    %get3A_19 = arith.constant 0 : index
    %get3A_20 = arith.constant 0 : index
    %get3A_21 = vector.load %arg5[%get3A_19, %get3A_20] : memref<1x128xf32, #tpu.memory_space<vmem>>, vector<1x128xf32>
    %add3A = vector.broadcast %get3A_21 : vector<1x128xf32> to vector<400x128xf32>
    %add3A_22 = arith.addf %mul3A_18, %add3A : vector<400x128xf32>
    %get3A_23 = arith.constant 0 : index
    %get3A_24 = arith.constant 0 : index
    %get3A_25 = vector.load %arg3[%get3A_23, %get3A_24] : memref<400x128xf32, #tpu.memory_space<vmem>>, vector<400x128xf32>
    %mul3A_26 = vector.broadcast %get3A_14 : vector<1x128xf32> to vector<400x128xf32>
    %mul3A_27 = arith.mulf %mul3A_26, %get3A_25 : vector<400x128xf32>
    %get3A_28 = arith.constant 0 : index
    %get3A_29 = arith.constant 0 : index
    %get3A_30 = vector.load %arg7[%get3A_28, %get3A_29] : memref<1x128xf32, #tpu.memory_space<vmem>>, vector<1x128xf32>
    %add3A_31 = vector.broadcast %get3A_30 : vector<1x128xf32> to vector<400x128xf32>
    %add3A_32 = arith.addf %mul3A_27, %add3A_31 : vector<400x128xf32>
    %reshape3A = vector.shape_cast %bitcast_convert_type3A : vector<6400x128xf32> to vector<400x16x128xf32>
    %broadcast_in_dim3A = vector.shape_cast %get3A_11 : vector<1x128xf32> to vector<1x1x128xf32>
    %mul3A_33 = vector.broadcast %broadcast_in_dim3A : vector<1x1x128xf32> to vector<400x16x128xf32>
    %mul3A_34 = arith.mulf %reshape3A, %mul3A_33 : vector<400x16x128xf32>
    %broadcast_in_dim3A_35 = vector.shape_cast %add3A_22 : vector<400x128xf32> to vector<400x1x128xf32>
    %add3A_36 = vector.broadcast %broadcast_in_dim3A_35 : vector<400x1x128xf32> to vector<400x16x128xf32>
    %add3A_37 = arith.addf %mul3A_34, %add3A_36 : vector<400x16x128xf32>
    %max3A = arith.constant 0.000000e+00 : f32
    %max3A_38 = vector.broadcast %max3A : f32 to vector<400x16x128xf32>
    %max3A_39 = arith.maximumf %add3A_37, %max3A_38 : vector<400x16x128xf32>
    %reshape3A_40 = vector.shape_cast %bitcast_convert_type3A_8 : vector<6400x128xf32> to vector<400x16x128xf32>
    %broadcast_in_dim3A_41 = vector.shape_cast %get3A_14 : vector<1x128xf32> to vector<1x1x128xf32>
    %mul3A_42 = vector.broadcast %broadcast_in_dim3A_41 : vector<1x1x128xf32> to vector<400x16x128xf32>
    %mul3A_43 = arith.mulf %reshape3A_40, %mul3A_42 : vector<400x16x128xf32>
    %broadcast_in_dim3A_44 = vector.shape_cast %add3A_32 : vector<400x128xf32> to vector<400x1x128xf32>
    %add3A_45 = vector.broadcast %broadcast_in_dim3A_44 : vector<400x1x128xf32> to vector<400x16x128xf32>
    %add3A_46 = arith.addf %mul3A_43, %add3A_45 : vector<400x16x128xf32>
    %max3A_47 = arith.constant 0.000000e+00 : f32
    %max3A_48 = vector.broadcast %max3A_47 : f32 to vector<400x16x128xf32>
    %max3A_49 = arith.maximumf %add3A_46, %max3A_48 : vector<400x16x128xf32>
    %reshape3A_50 = vector.shape_cast %max3A_39 : vector<400x16x128xf32> to vector<6400x128xf32>
    %get3A_51 = arith.constant 0 : index
    %get3A_52 = arith.constant 0 : index
    %get3A_53 = vector.load %arg8[%get3A_51, %get3A_52] : memref<128x256xf32, #tpu.memory_space<vmem>>, vector<128x256xf32>
    %dot_general3A = arith.constant dense<0.000000e+00> : vector<6400x256xf32>
    %dot_general3A_54 = tpu.matmul %reshape3A_50, %get3A_53, %dot_general3A {dimension_numbers = #tpu.dot_dimension_numbers<[1], [0], [0], [1], [0, 0, 1, 1], [], []>, transpose_lhs_hint = false} : vector<6400x128xf32>, vector<128x256xf32>, vector<6400x256xf32> -> vector<6400x256xf32>
    %reshape3A_55 = vector.shape_cast %max3A_49 : vector<400x16x128xf32> to vector<6400x128xf32>
    %get3A_56 = arith.constant 0 : index
    %get3A_57 = arith.constant 0 : index
    %get3A_58 = vector.load %arg9[%get3A_56, %get3A_57] : memref<128x256xf32, #tpu.memory_space<vmem>>, vector<128x256xf32>
    %dot_general3A_59 = arith.constant dense<0.000000e+00> : vector<6400x256xf32>
    %dot_general3A_60 = tpu.matmul %reshape3A_55, %get3A_58, %dot_general3A_59 {dimension_numbers = #tpu.dot_dimension_numbers<[1], [0], [0], [1], [0, 0, 1, 1], [], []>, transpose_lhs_hint = false} : vector<6400x128xf32>, vector<128x256xf32>, vector<6400x256xf32> -> vector<6400x256xf32>
    %add3A_61 = arith.addf %dot_general3A_54, %dot_general3A_60 : vector<6400x256xf32>
    %get3A_62 = arith.constant 0 : index
    %get3A_63 = arith.constant 0 : index
    %get3A_64 = vector.load %arg10[%get3A_62, %get3A_63] : memref<1x256xf32, #tpu.memory_space<vmem>>, vector<1x256xf32>
    %add3A_65 = vector.broadcast %get3A_64 : vector<1x256xf32> to vector<6400x256xf32>
    %add3A_66 = arith.addf %add3A_61, %add3A_65 : vector<6400x256xf32>
    %get3A_67 = arith.constant 0 : index
    %get3A_68 = arith.constant 0 : index
    %get3A_69 = vector.load %arg12[%get3A_67, %get3A_68] : memref<2x256xf32, #tpu.memory_space<vmem>>, vector<2x256xf32>
    %reduce_sum3A = arith.constant dense<0.000000e+00> : vector<256xf32>
    %reduce_sum3A_70 = vector.multi_reduction <add>, %add3A_66, %reduce_sum3A [0] : vector<6400x256xf32> to vector<256xf32>
    %mul3A_71 = arith.mulf %add3A_66, %add3A_66 : vector<6400x256xf32>
    %reduce_sum3A_72 = arith.constant dense<0.000000e+00> : vector<256xf32>
    %reduce_sum3A_73 = vector.multi_reduction <add>, %mul3A_71, %reduce_sum3A_72 [0] : vector<6400x256xf32> to vector<256xf32>
    %stack3A = vector.shape_cast %reduce_sum3A_70 : vector<256xf32> to vector<1x256xf32>
    %stack3A_74 = vector.shape_cast %reduce_sum3A_73 : vector<256xf32> to vector<1x256xf32>
    %stack3A_75 = tpu.concatenate %stack3A, %stack3A_74 in 0 : vector<1x256xf32>, vector<1x256xf32> -> vector<2x256xf32>
    %add3A_76 = arith.addf %get3A_69, %stack3A_75 : vector<2x256xf32>
    %swap3A = arith.constant 0 : index
    %swap3A_77 = arith.constant 0 : index
    %swap3A_78 = vector.load %arg12[%swap3A, %swap3A_77] : memref<2x256xf32, #tpu.memory_space<vmem>>, vector<2x256xf32>
    tpu.vector_store %arg12[%swap3A, %swap3A_77], %add3A_76 {strides = array<i32>} : memref<2x256xf32, #tpu.memory_space<vmem>>, vector<2x256xf32>,
    %reshape3A_79 = vector.shape_cast %add3A_66 : vector<6400x256xf32> to vector<400x16x256xf32>
    %reduce_max3A = arith.constant dense<0xFF800000> : vector<400x256xf32>
    %reduce_max3A_80 = vector.multi_reduction <maximumf>, %reshape3A_79, %reduce_max3A [1] : vector<400x16x256xf32> to vector<400x256xf32>
    %swap3A_81 = arith.constant 0 : index
    %swap3A_82 = arith.constant 0 : index
    %swap3A_83 = vector.load %arg11[%swap3A_81, %swap3A_82] : memref<400x256xf32, #tpu.memory_space<vmem>>, vector<400x256xf32>
    tpu.vector_store %arg11[%swap3A_81, %swap3A_82], %reduce_max3A_80 {strides = array<i32>} : memref<400x256xf32, #tpu.memory_space<vmem>>, vector<400x256xf32>,
    return
  }
  func.func @transform_0(%arg0: i32) -> (i32, i32) {
    %c0_i32 = arith.constant 0 : i32
    %c0_i32_0 = arith.constant 0 : i32
    return %arg0, %c0_i32 : i32, i32
  }
  func.func @transform_1(%arg0: i32) -> (i32, i32) {
    %add3A = arith.constant 16 : i32
    %add3A_0 = arith.addi %arg0, %add3A : i32
    %c0_i32 = arith.constant 0 : i32
    %c0_i32_1 = arith.constant 0 : i32
    return %add3A_0, %c0_i32 : i32, i32
  }
  func.func @transform_2(%arg0: i32) -> (i32, i32) {
    %add3A = arith.constant 16 : i32
    %add3A_0 = arith.addi %arg0, %add3A : i32
    %c0_i32 = arith.constant 0 : i32
    %c0_i32_1 = arith.constant 0 : i32
    return %add3A_0, %c0_i32 : i32, i32
  }
  func.func @transform_3(%arg0: i32) -> (i32, i32) {
    %c0_i32 = arith.constant 0 : i32
    %c0_i32_0 = arith.constant 0 : i32
    %c0_i32_1 = arith.constant 0 : i32
    return %c0_i32, %c0_i32_0 : i32, i32
  }
  func.func @transform_4(%arg0: i32) -> (i32, i32) {
    %c0_i32 = arith.constant 0 : i32
    %c0_i32_0 = arith.constant 0 : i32
    %c0_i32_1 = arith.constant 0 : i32
    return %c0_i32, %c0_i32_0 : i32, i32
  }
  func.func @transform_5(%arg0: i32) -> (i32, i32) {
    %c0_i32 = arith.constant 0 : i32
    %c0_i32_0 = arith.constant 0 : i32
    %c0_i32_1 = arith.constant 0 : i32
    return %c0_i32, %c0_i32_0 : i32, i32
  }
  func.func @transform_6(%arg0: i32) -> (i32, i32) {
    %c0_i32 = arith.constant 0 : i32
    %c0_i32_0 = arith.constant 0 : i32
    %c0_i32_1 = arith.constant 0 : i32
    return %c0_i32, %c0_i32_0 : i32, i32
  }
  func.func @transform_7(%arg0: i32) -> (i32, i32) {
    %c0_i32 = arith.constant 0 : i32
    %c0_i32_0 = arith.constant 0 : i32
    %c0_i32_1 = arith.constant 0 : i32
    return %c0_i32, %c0_i32_0 : i32, i32
  }
  func.func @transform_8(%arg0: i32) -> (i32, i32) {
    %c0_i32 = arith.constant 0 : i32
    %c0_i32_0 = arith.constant 0 : i32
    %c0_i32_1 = arith.constant 0 : i32
    return %c0_i32, %c0_i32_0 : i32, i32
  }
  func.func @transform_9(%arg0: i32) -> (i32, i32) {
    %c0_i32 = arith.constant 0 : i32
    %c0_i32_0 = arith.constant 0 : i32
    %c0_i32_1 = arith.constant 0 : i32
    return %c0_i32, %c0_i32_0 : i32, i32
  }
  func.func @transform_10(%arg0: i32) -> (i32, i32) {
    %c0_i32 = arith.constant 0 : i32
    %c0_i32_0 = arith.constant 0 : i32
    return %arg0, %c0_i32 : i32, i32
  }
  func.func @transform_11(%arg0: i32) -> (i32, i32) {
    %c0_i32 = arith.constant 0 : i32
    %c0_i32_0 = arith.constant 0 : i32
    %c0_i32_1 = arith.constant 0 : i32
    return %c0_i32, %c0_i32_0 : i32, i32
  }
}

module attributes {stable_mosaic.version = 14 : i64} {
  func.func @_main_body(%arg0: i32, %arg1: memref<6400x128xi32, #tpu.memory_space<vmem>>, %arg2: memref<400x128xf32, #tpu.memory_space<vmem>>, %arg3: memref<400x128xf32, #tpu.memory_space<vmem>>, %arg4: memref<1x128xf32, #tpu.memory_space<vmem>>, %arg5: memref<1x128xf32, #tpu.memory_space<vmem>>, %arg6: memref<1x128xf32, #tpu.memory_space<vmem>>, %arg7: memref<1x128xf32, #tpu.memory_space<vmem>>, %arg8: memref<128x256xf32, #tpu.memory_space<vmem>>, %arg9: memref<128x256xf32, #tpu.memory_space<vmem>>, %arg10: memref<1x256xf32, #tpu.memory_space<vmem>>, %arg11: memref<400x256xf32, #tpu.memory_space<vmem>>, %arg12: memref<2x256xf32, #tpu.memory_space<vmem>>) attributes {dimension_semantics = [#tpu.dimension_semantics<arbitrary>], iteration_bounds = array<i64: 16>, scalar_prefetch = 0 : i64, scratch_operands = 0 : i64, tpu.core_type = #tpu.core_type<tc>, window_params = [{transform_indices = @transform_0, window_bounds = array<i64: 6400, 128>}, {transform_indices = @transform_1, window_bounds = array<i64: 400, 128>}, {transform_indices = @transform_2, window_bounds = array<i64: 400, 128>}, {pipeline_mode = #tpu.pipeline_mode<synchronous>, transform_indices = @transform_3, window_bounds = array<i64: 1, 128>}, {pipeline_mode = #tpu.pipeline_mode<synchronous>, transform_indices = @transform_4, window_bounds = array<i64: 1, 128>}, {pipeline_mode = #tpu.pipeline_mode<synchronous>, transform_indices = @transform_5, window_bounds = array<i64: 1, 128>}, {pipeline_mode = #tpu.pipeline_mode<synchronous>, transform_indices = @transform_6, window_bounds = array<i64: 1, 128>}, {pipeline_mode = #tpu.pipeline_mode<synchronous>, transform_indices = @transform_7, window_bounds = array<i64: 128, 256>}, {pipeline_mode = #tpu.pipeline_mode<synchronous>, transform_indices = @transform_8, window_bounds = array<i64: 128, 256>}, {pipeline_mode = #tpu.pipeline_mode<synchronous>, transform_indices = @transform_9, window_bounds = array<i64: 1, 256>}, {transform_indices = @transform_10, window_bounds = array<i64: 400, 256>}, {pipeline_mode = #tpu.pipeline_mode<synchronous>, transform_indices = @transform_11, window_bounds = array<i64: 2, 256>}]} {
    %eq3A = arith.constant 0 : i32
    %eq3A_0 = arith.cmpi eq, %arg0, %eq3A : i32
    %convert_element_type3A = arith.extui %eq3A_0 : i1 to i32
    %cond3A = arith.constant 0 : i32
    %cond3A_1 = arith.cmpi ne, %convert_element_type3A, %cond3A : i32
    scf.if %cond3A_1 {
      %broadcast_in_dim3A_84 = arith.constant 0.000000e+00 : f32
      %broadcast_in_dim3A_85 = vector.broadcast %broadcast_in_dim3A_84 : f32 to vector<2x256xf32>
      %swap3A_86 = arith.constant 0 : index
      %swap3A_87 = arith.constant 0 : index
      %swap3A_88 = vector.load %arg12[%swap3A_86, %swap3A_87] : memref<2x256xf32, #tpu.memory_space<vmem>>, vector<2x256xf32>
      tpu.vector_store %arg12[%swap3A_86, %swap3A_87], %broadcast_in_dim3A_85 {strides = array<i32>} : memref<2x256xf32, #tpu.memory_space<vmem>>, vector<2x256xf32>,
    } else {
    }
    %get3A = arith.constant 0 : index
    %get3A_2 = arith.constant 0 : index
    %get3A_3 = vector.load %arg1[%get3A, %get3A_2] : memref<6400x128xi32, #tpu.memory_space<vmem>>, vector<6400x128xi32>
    %shift_left3A = arith.constant 16 : i32
    %shift_left3A_4 = vector.broadcast %shift_left3A : i32 to vector<6400x128xi32>
    %shift_left3A_5 = arith.shli %get3A_3, %shift_left3A_4 : vector<6400x128xi32>
    %bitcast_convert_type3A = tpu.bitcast %shift_left3A_5 : vector<6400x128xi32> -> vector<6400x128xf32>
    %and3A = arith.constant -65536 : i32
    %and3A_6 = vector.broadcast %and3A : i32 to vector<6400x128xi32>
    %and3A_7 = arith.andi %get3A_3, %and3A_6 : vector<6400x128xi32>
    %bitcast_convert_type3A_8 = tpu.bitcast %and3A_7 : vector<6400x128xi32> -> vector<6400x128xf32>
    %get3A_9 = arith.constant 0 : index
    %get3A_10 = arith.constant 0 : index
    %get3A_11 = vector.load %arg4[%get3A_9, %get3A_10] : memref<1x128xf32, #tpu.memory_space<vmem>>, vector<1x128xf32>
    %get3A_12 = arith.constant 0 : index
    %get3A_13 = arith.constant 0 : index
    %get3A_14 = vector.load %arg6[%get3A_12, %get3A_13] : memref<1x128xf32, #tpu.memory_space<vmem>>, vector<1x128xf32>
    %get3A_15 = arith.constant 0 : index
    %get3A_16 = arith.constant 0 : index
    %get3A_17 = vector.load %arg2[%get3A_15, %get3A_16] : memref<400x128xf32, #tpu.memory_space<vmem>>, vector<400x128xf32>
    %mul3A = vector.broadcast %get3A_11 : vector<1x128xf32> to vector<400x128xf32>
    %mul3A_18 = arith.mulf %mul3A, %get3A_17 : vector<400x128xf32>
    %get3A_19 = arith.constant 0 : index
    %get3A_20 = arith.constant 0 : index
    %get3A_21 = vector.load %arg5[%get3A_19, %get3A_20] : memref<1x128xf32, #tpu.memory_space<vmem>>, vector<1x128xf32>
    %add3A = vector.broadcast %get3A_21 : vector<1x128xf32> to vector<400x128xf32>
    %add3A_22 = arith.addf %mul3A_18, %add3A : vector<400x128xf32>
    %get3A_23 = arith.constant 0 : index
    %get3A_24 = arith.constant 0 : index
    %get3A_25 = vector.load %arg3[%get3A_23, %get3A_24] : memref<400x128xf32, #tpu.memory_space<vmem>>, vector<400x128xf32>
    %mul3A_26 = vector.broadcast %get3A_14 : vector<1x128xf32> to vector<400x128xf32>
    %mul3A_27 = arith.mulf %mul3A_26, %get3A_25 : vector<400x128xf32>
    %get3A_28 = arith.constant 0 : index
    %get3A_29 = arith.constant 0 : index
    %get3A_30 = vector.load %arg7[%get3A_28, %get3A_29] : memref<1x128xf32, #tpu.memory_space<vmem>>, vector<1x128xf32>
    %add3A_31 = vector.broadcast %get3A_30 : vector<1x128xf32> to vector<400x128xf32>
    %add3A_32 = arith.addf %mul3A_27, %add3A_31 : vector<400x128xf32>
    %reshape3A = vector.shape_cast %bitcast_convert_type3A : vector<6400x128xf32> to vector<400x16x128xf32>
    %broadcast_in_dim3A = vector.shape_cast %get3A_11 : vector<1x128xf32> to vector<1x1x128xf32>
    %mul3A_33 = vector.broadcast %broadcast_in_dim3A : vector<1x1x128xf32> to vector<400x16x128xf32>
    %mul3A_34 = arith.mulf %reshape3A, %mul3A_33 : vector<400x16x128xf32>
    %broadcast_in_dim3A_35 = vector.shape_cast %add3A_22 : vector<400x128xf32> to vector<400x1x128xf32>
    %add3A_36 = vector.broadcast %broadcast_in_dim3A_35 : vector<400x1x128xf32> to vector<400x16x128xf32>
    %add3A_37 = arith.addf %mul3A_34, %add3A_36 : vector<400x16x128xf32>
    %max3A = arith.constant 0.000000e+00 : f32
    %max3A_38 = vector.broadcast %max3A : f32 to vector<400x16x128xf32>
    %max3A_39 = arith.maximumf %add3A_37, %max3A_38 : vector<400x16x128xf32>
    %reshape3A_40 = vector.shape_cast %bitcast_convert_type3A_8 : vector<6400x128xf32> to vector<400x16x128xf32>
    %broadcast_in_dim3A_41 = vector.shape_cast %get3A_14 : vector<1x128xf32> to vector<1x1x128xf32>
    %mul3A_42 = vector.broadcast %broadcast_in_dim3A_41 : vector<1x1x128xf32> to vector<400x16x128xf32>
    %mul3A_43 = arith.mulf %reshape3A_40, %mul3A_42 : vector<400x16x128xf32>
    %broadcast_in_dim3A_44 = vector.shape_cast %add3A_32 : vector<400x128xf32> to vector<400x1x128xf32>
    %add3A_45 = vector.broadcast %broadcast_in_dim3A_44 : vector<400x1x128xf32> to vector<400x16x128xf32>
    %add3A_46 = arith.addf %mul3A_43, %add3A_45 : vector<400x16x128xf32>
    %max3A_47 = arith.constant 0.000000e+00 : f32
    %max3A_48 = vector.broadcast %max3A_47 : f32 to vector<400x16x128xf32>
    %max3A_49 = arith.maximumf %add3A_46, %max3A_48 : vector<400x16x128xf32>
    %reshape3A_50 = vector.shape_cast %max3A_39 : vector<400x16x128xf32> to vector<6400x128xf32>
    %get3A_51 = arith.constant 0 : index
    %get3A_52 = arith.constant 0 : index
    %get3A_53 = vector.load %arg8[%get3A_51, %get3A_52] : memref<128x256xf32, #tpu.memory_space<vmem>>, vector<128x256xf32>
    %dot_general3A = arith.constant dense<0.000000e+00> : vector<6400x256xf32>
    %dot_general3A_54 = tpu.matmul %reshape3A_50, %get3A_53, %dot_general3A {dimension_numbers = #tpu.dot_dimension_numbers<[1], [0], [0], [1], [0, 0, 1, 1], [], []>, transpose_lhs_hint = false} : vector<6400x128xf32>, vector<128x256xf32>, vector<6400x256xf32> -> vector<6400x256xf32>
    %reshape3A_55 = vector.shape_cast %max3A_49 : vector<400x16x128xf32> to vector<6400x128xf32>
    %get3A_56 = arith.constant 0 : index
    %get3A_57 = arith.constant 0 : index
    %get3A_58 = vector.load %arg9[%get3A_56, %get3A_57] : memref<128x256xf32, #tpu.memory_space<vmem>>, vector<128x256xf32>
    %dot_general3A_59 = arith.constant dense<0.000000e+00> : vector<6400x256xf32>
    %dot_general3A_60 = tpu.matmul %reshape3A_55, %get3A_58, %dot_general3A_59 {dimension_numbers = #tpu.dot_dimension_numbers<[1], [0], [0], [1], [0, 0, 1, 1], [], []>, transpose_lhs_hint = false} : vector<6400x128xf32>, vector<128x256xf32>, vector<6400x256xf32> -> vector<6400x256xf32>
    %add3A_61 = arith.addf %dot_general3A_54, %dot_general3A_60 : vector<6400x256xf32>
    %get3A_62 = arith.constant 0 : index
    %get3A_63 = arith.constant 0 : index
    %get3A_64 = vector.load %arg10[%get3A_62, %get3A_63] : memref<1x256xf32, #tpu.memory_space<vmem>>, vector<1x256xf32>
    %add3A_65 = vector.broadcast %get3A_64 : vector<1x256xf32> to vector<6400x256xf32>
    %add3A_66 = arith.addf %add3A_61, %add3A_65 : vector<6400x256xf32>
    %get3A_67 = arith.constant 0 : index
    %get3A_68 = arith.constant 0 : index
    %get3A_69 = vector.load %arg12[%get3A_67, %get3A_68] : memref<2x256xf32, #tpu.memory_space<vmem>>, vector<2x256xf32>
    %reduce_sum3A = arith.constant dense<0.000000e+00> : vector<256xf32>
    %reduce_sum3A_70 = vector.multi_reduction <add>, %add3A_66, %reduce_sum3A [0] : vector<6400x256xf32> to vector<256xf32>
    %mul3A_71 = arith.mulf %add3A_66, %add3A_66 : vector<6400x256xf32>
    %reduce_sum3A_72 = arith.constant dense<0.000000e+00> : vector<256xf32>
    %reduce_sum3A_73 = vector.multi_reduction <add>, %mul3A_71, %reduce_sum3A_72 [0] : vector<6400x256xf32> to vector<256xf32>
    %stack3A = vector.shape_cast %reduce_sum3A_70 : vector<256xf32> to vector<1x256xf32>
    %stack3A_74 = vector.shape_cast %reduce_sum3A_73 : vector<256xf32> to vector<1x256xf32>
    %stack3A_75 = tpu.concatenate %stack3A, %stack3A_74 in 0 : vector<1x256xf32>, vector<1x256xf32> -> vector<2x256xf32>
    %add3A_76 = arith.addf %get3A_69, %stack3A_75 : vector<2x256xf32>
    %swap3A = arith.constant 0 : index
    %swap3A_77 = arith.constant 0 : index
    %swap3A_78 = vector.load %arg12[%swap3A, %swap3A_77] : memref<2x256xf32, #tpu.memory_space<vmem>>, vector<2x256xf32>
    tpu.vector_store %arg12[%swap3A, %swap3A_77], %add3A_76 {strides = array<i32>} : memref<2x256xf32, #tpu.memory_space<vmem>>, vector<2x256xf32>,
    %reshape3A_79 = vector.shape_cast %add3A_66 : vector<6400x256xf32> to vector<400x16x256xf32>
    %reduce_max3A = arith.constant dense<0xFF800000> : vector<400x256xf32>
    %reduce_max3A_80 = vector.multi_reduction <maximumf>, %reshape3A_79, %reduce_max3A [1] : vector<400x16x256xf32> to vector<400x256xf32>
    %swap3A_81 = arith.constant 0 : index
    %swap3A_82 = arith.constant 0 : index
    %swap3A_83 = vector.load %arg11[%swap3A_81, %swap3A_82] : memref<400x256xf32, #tpu.memory_space<vmem>>, vector<400x256xf32>
    tpu.vector_store %arg11[%swap3A_81, %swap3A_82], %reduce_max3A_80 {strides = array<i32>} : memref<400x256xf32, #tpu.memory_space<vmem>>, vector<400x256xf32>,
    return
  }
  func.func @transform_0(%arg0: i32) -> (i32, i32) {
    %c0_i32 = arith.constant 0 : i32
    %c0_i32_0 = arith.constant 0 : i32
    return %arg0, %c0_i32 : i32, i32
  }
  func.func @transform_1(%arg0: i32) -> (i32, i32) {
    %add3A = arith.constant 0 : i32
    %add3A_0 = arith.addi %arg0, %add3A : i32
    %c0_i32 = arith.constant 0 : i32
    %c0_i32_1 = arith.constant 0 : i32
    return %add3A_0, %c0_i32 : i32, i32
  }
  func.func @transform_2(%arg0: i32) -> (i32, i32) {
    %add3A = arith.constant 0 : i32
    %add3A_0 = arith.addi %arg0, %add3A : i32
    %c0_i32 = arith.constant 0 : i32
    %c0_i32_1 = arith.constant 0 : i32
    return %add3A_0, %c0_i32 : i32, i32
  }
  func.func @transform_3(%arg0: i32) -> (i32, i32) {
    %c0_i32 = arith.constant 0 : i32
    %c0_i32_0 = arith.constant 0 : i32
    %c0_i32_1 = arith.constant 0 : i32
    return %c0_i32, %c0_i32_0 : i32, i32
  }
  func.func @transform_4(%arg0: i32) -> (i32, i32) {
    %c0_i32 = arith.constant 0 : i32
    %c0_i32_0 = arith.constant 0 : i32
    %c0_i32_1 = arith.constant 0 : i32
    return %c0_i32, %c0_i32_0 : i32, i32
  }
  func.func @transform_5(%arg0: i32) -> (i32, i32) {
    %c0_i32 = arith.constant 0 : i32
    %c0_i32_0 = arith.constant 0 : i32
    %c0_i32_1 = arith.constant 0 : i32
    return %c0_i32, %c0_i32_0 : i32, i32
  }
  func.func @transform_6(%arg0: i32) -> (i32, i32) {
    %c0_i32 = arith.constant 0 : i32
    %c0_i32_0 = arith.constant 0 : i32
    %c0_i32_1 = arith.constant 0 : i32
    return %c0_i32, %c0_i32_0 : i32, i32
  }
  func.func @transform_7(%arg0: i32) -> (i32, i32) {
    %c0_i32 = arith.constant 0 : i32
    %c0_i32_0 = arith.constant 0 : i32
    %c0_i32_1 = arith.constant 0 : i32
    return %c0_i32, %c0_i32_0 : i32, i32
  }
  func.func @transform_8(%arg0: i32) -> (i32, i32) {
    %c0_i32 = arith.constant 0 : i32
    %c0_i32_0 = arith.constant 0 : i32
    %c0_i32_1 = arith.constant 0 : i32
    return %c0_i32, %c0_i32_0 : i32, i32
  }
  func.func @transform_9(%arg0: i32) -> (i32, i32) {
    %c0_i32 = arith.constant 0 : i32
    %c0_i32_0 = arith.constant 0 : i32
    %c0_i32_1 = arith.constant 0 : i32
    return %c0_i32, %c0_i32_0 : i32, i32
  }
  func.func @transform_10(%arg0: i32) -> (i32, i32) {
    %c0_i32 = arith.constant 0 : i32
    %c0_i32_0 = arith.constant 0 : i32
    return %arg0, %c0_i32 : i32, i32
  }
  func.func @transform_11(%arg0: i32) -> (i32, i32) {
    %c0_i32 = arith.constant 0 : i32
    %c0_i32_0 = arith.constant 0 : i32
    %c0_i32_1 = arith.constant 0 : i32
    return %c0_i32, %c0_i32_0 : i32, i32
  }
}

module attributes {stable_mosaic.version = 14 : i64} {
  func.func @_final_body(%arg0: i32, %arg1: memref<10000x256xf32, #tpu.memory_space<vmem>>, %arg2: memref<1x128xf32, #tpu.memory_space<vmem>>, %arg3: memref<1x128xf32, #tpu.memory_space<vmem>>, %arg4: memref<1x128x10000xf32, #tpu.memory_space<vmem>>) attributes {dimension_semantics = [#tpu.dimension_semantics<arbitrary>], iteration_bounds = array<i64: 1>, scalar_prefetch = 0 : i64, scratch_operands = 0 : i64, tpu.core_type = #tpu.core_type<tc>, window_params = [{pipeline_mode = #tpu.pipeline_mode<synchronous>, transform_indices = @transform_0, window_bounds = array<i64: 10000, 256>}, {pipeline_mode = #tpu.pipeline_mode<synchronous>, transform_indices = @transform_1, window_bounds = array<i64: 1, 128>}, {pipeline_mode = #tpu.pipeline_mode<synchronous>, transform_indices = @transform_2, window_bounds = array<i64: 1, 128>}, {pipeline_mode = #tpu.pipeline_mode<synchronous>, transform_indices = @transform_3, window_bounds = array<i64: 1, 128, 10000>}]} {
    %get3A = arith.constant 0 : index
    %get3A_0 = arith.constant 0 : index
    %get3A_1 = vector.load %arg1[%get3A, %get3A_0] : memref<10000x256xf32, #tpu.memory_space<vmem>>, vector<10000x256xf32>
    %slice3A = vector.extract_strided_slice %get3A_1 {offsets = [0, 0], sizes = [10000, 128], strides = [1, 1]} : vector<10000x256xf32> to vector<10000x128xf32>
    %slice3A_2 = vector.extract_strided_slice %get3A_1 {offsets = [0, 128], sizes = [10000, 128], strides = [1, 1]} : vector<10000x256xf32> to vector<10000x128xf32>
    %max3A = arith.maximumf %slice3A, %slice3A_2 : vector<10000x128xf32>
    %get3A_3 = arith.constant 0 : index
    %get3A_4 = arith.constant 0 : index
    %get3A_5 = vector.load %arg2[%get3A_3, %get3A_4] : memref<1x128xf32, #tpu.memory_space<vmem>>, vector<1x128xf32>
    %mul3A = vector.broadcast %get3A_5 : vector<1x128xf32> to vector<10000x128xf32>
    %mul3A_6 = arith.mulf %mul3A, %max3A : vector<10000x128xf32>
    %get3A_7 = arith.constant 0 : index
    %get3A_8 = arith.constant 0 : index
    %get3A_9 = vector.load %arg3[%get3A_7, %get3A_8] : memref<1x128xf32, #tpu.memory_space<vmem>>, vector<1x128xf32>
    %add3A = vector.broadcast %get3A_9 : vector<1x128xf32> to vector<10000x128xf32>
    %add3A_10 = arith.addf %mul3A_6, %add3A : vector<10000x128xf32>
    %max3A_11 = arith.constant 0.000000e+00 : f32
    %max3A_12 = vector.broadcast %max3A_11 : f32 to vector<10000x128xf32>
    %max3A_13 = arith.maximumf %add3A_10, %max3A_12 : vector<10000x128xf32>
    %transpose3A = tpu.transpose %max3A_13, [1, 0] : vector<10000x128xf32> -> vector<128x10000xf32>
    %swap3A = arith.constant 0 : index
    %swap3A_14 = arith.constant 0 : index
    %swap3A_15 = arith.constant 0 : index
    %swap3A_16 = vector.load %arg4[%swap3A, %swap3A_14, %swap3A_15] : memref<1x128x10000xf32, #tpu.memory_space<vmem>>, vector<1x128x10000xf32>
    %swap3A_17 = vector.shape_cast %swap3A_16 : vector<1x128x10000xf32> to vector<128x10000xf32>
    %swap3A_18 = vector.shape_cast %transpose3A : vector<128x10000xf32> to vector<1x128x10000xf32>
    tpu.vector_store %arg4[%swap3A, %swap3A_14, %swap3A_15], %swap3A_18 {strides = array<i32>} : memref<1x128x10000xf32, #tpu.memory_space<vmem>>, vector<1x128x10000xf32>,
    return
  }
  func.func @transform_0(%arg0: i32) -> (i32, i32) {
    %c0_i32 = arith.constant 0 : i32
    %c0_i32_0 = arith.constant 0 : i32
    %c0_i32_1 = arith.constant 0 : i32
    return %c0_i32, %c0_i32_0 : i32, i32
  }
  func.func @transform_1(%arg0: i32) -> (i32, i32) {
    %c0_i32 = arith.constant 0 : i32
    %c0_i32_0 = arith.constant 0 : i32
    %c0_i32_1 = arith.constant 0 : i32
    return %c0_i32, %c0_i32_0 : i32, i32
  }
  func.func @transform_2(%arg0: i32) -> (i32, i32) {
    %c0_i32 = arith.constant 0 : i32
    %c0_i32_0 = arith.constant 0 : i32
    %c0_i32_1 = arith.constant 0 : i32
    return %c0_i32, %c0_i32_0 : i32, i32
  }
  func.func @transform_3(%arg0: i32) -> (i32, i32, i32) {
    %c0_i32 = arith.constant 0 : i32
    %c0_i32_0 = arith.constant 0 : i32
    %c0_i32_1 = arith.constant 0 : i32
    %c0_i32_2 = arith.constant 0 : i32
    return %c0_i32, %c0_i32_0, %c0_i32_1 : i32, i32, i32
  }
}

</mosaic_0001>

<sc_bundles>
// kernel: kernel.10.cloned.1.call-start
scs
__scs_entry_jumppad:
0x0: {  	(pc) =	sbr.rel $0x88, $3  }
0x1: {  	(tag) =	ssettag $0x0;
	lr =	simm.s32 $0x1  }
0x2: {  	[smem:$0x3F97] =	sst lr;
	_ =	strace $0xD0000000  }
0x3: {  	_ = 	snop  }
0x4: {  	_ = 	snop  }
0x5: {  	_ = 	snop  }
0x6: {  	_ = 	snop  }
0x7: {  	_ = 	snop  }
__scs_overlays_trampoline_lowered:
0x8: {  	[smem:$0x3FA6] =	sst s0  }
0x9: {  	[smem:$0x3FA7] =	sst s1  }
0xa: {  	[smem:$0x3FA8] =	sst s2  }
0xb: {  	[smem:$0x3FA9] =	sst s3  }
0xc: {  	[smem:$0x3FAA] =	sst s4  }
0xd: {  	[smem:$0x3FAB] =	sst s5  }
0xe: {  	[smem:$0x3FAC] =	sst s6  }
0xf: {  	[smem:$0x3FAD] =	sst s7  }
0x10: {  	[smem:$0x3FAE] =	sst s8  }
0x11: {  	[smem:$0x3FAF] =	sst s9;
	s0 =	simm.s32 @!p0 $0x0  }
0x12: {  	s1 =	sld [smem:$0x3F95];
	s0 =	simm.s32 @p0 $0x1  }
0x13: {  	[smem:$0x3FB0] =	sst s0;
	s0 =	simm.s32 @!p1 $0x0  }
0x14: {  	s2 =	sld [smem:$0x3F94];
	s0 =	simm.s32 @p1 $0x1  }
0x15: {  	[smem:$0x3FB1] =	sst s0;
	s0 =	simm.s32 @!p2 $0x0  }
0x16: {  	s3 =	sld [smem:$0x3FDB];
	s0 =	simm.s32 @p2 $0x1  }
0x17: {  	s4 =	simm.s32 $0x1BF5;
	[smem:$0x3FB3] =	sst s0  }
0x18: {  	s0 =	sld [smem:$0x3F96];
	_ =	swait.ge [sflag:s4], $0x0  }
0x19: {  	s7 =	sld [smem:$0x3F97]  }
0x1a: {  	s8 =	sadd.s32 $0xFFFFE003, lr  }
0x1b: {  	s9 =	sadd.s32 $0xFFFFFEF7, lr;
	s5 =	simm.s32 $0xFFFFFFFF;
	p2 =	slt.u32 s8, $0xFFFFF086  }
0x1c: {  	p1 =	slt.u32 s9, $0xF7A;
	s5 =	simm.s32 @!p2 $0x0  }
0x1d: {  	s5 =	simm.s32 @p1 $0x1;
	p0 =	seq.s32 s7, s2  }
0x1e: {  	s7 =	smul.u32 @!p0 $0xF7A, s2;
	p2 =	seq.s32 @!p0 s5, $0x0  }
0x1f: {  	s9 =	smul.u32 $0xF7A, s1;
	s8 =	simm.s32 @!p0 $0x1BF5;
	p2 =	por !p2, p0  }
0x20: {  	[sflag:s8] =	ssyncset.s32 @!p0 $0xFFFFF086;
	s6 =	sadd.s32 @!p0 s3, s7;
	s7 =	simm.s32 @!p0 $0x108  }
0x21: {  	s3 =	sadd.s32 s3, s9;
	s6 =	sadd.s32 @!p0 $0x88, s6;
	s7 =	simm.s32 @p2 $0x1082  }
0x22: {  	[simem:s7], [sflag:s8] =	dma.local @!p0 [hbm:s6], $0xF7A  }
0x23: {  	s9 =	sor.u32 $0xD0000000, s2;
	s6 =	simm.s32 $0x108;
	_ =	swait.ge @!p0 [sflag:s8], $0x0  }
0x24: {  	s3 =	sadd.s32 $0x88, s3;
	s6 =	simm.s32 @!p1 $0x1082;
	[sflag:s4] =	ssyncset.s32 $0xFFFFF086  }
0x25: {  	[simem:s6], [sflag:s4] =	dma.local [hbm:s3], $0xF7A  }
0x26: {  	[smem:$0x3F97] =	sst s1;
	(tag) =	ssettag s2;
	_ =	strace s9  }
0x27: {  	s1 =	sld [smem:$0x3FA7]  }
0x28: {  	s2 =	sld [smem:$0x3FA8]  }
0x29: {  	s4 =	sld [smem:$0x3FAA]  }
0x2a: {  	p0 =	seq.s32 s5, $0x0;
	s5 =	sld [smem:$0x3FAB]  }
0x2b: {  	s6 =	sld [smem:$0x3FAC]  }
0x2c: {  	s7 =	sld [smem:$0x3FAD]  }
0x2d: {  	s3 =	simm.s32 $0x108;
	s8 =	sld [smem:$0x3FAE]  }
0x2e: {  	s3 =	simm.s32 @!p0 $0x1082;
	s9 =	sld [smem:$0x3FAF]  }
0x2f: {  	lr =	sadd.s32 s0, s3;
	s0 =	sld [smem:$0x3FA6]  }
0x30: {  	s3 =	sld [smem:$0x3FA9]  }
0x31: {  	[smem:$0x3FB2] =	sst s10  }
0x32: {  	s10 =	sld [smem:$0x3FB0];
	_ =	sdelay $0x3  }
0x33: {  	p0 =	seq.s32 s10, $0x1;
	s10 =	sld [smem:$0x3FB2];
	_ =	sdelay $0x3  }
0x34: {  	[smem:$0x3FB2] =	sst s10  }
0x35: {  	s10 =	sld [smem:$0x3FB1];
	_ =	sdelay $0x3  }
0x36: {  	p1 =	seq.s32 s10, $0x1;
	s10 =	sld [smem:$0x3FB2];
	_ =	sdelay $0x3  }
0x37: {  	[smem:$0x3FB2] =	sst s10  }
0x38: {  	s10 =	sld [smem:$0x3FB3]  }
0x39: {  	_ = 	snop;
	(pc) =	sbr.ind lr, $3  }
0x3a: {  	_ = 	snop  }
0x3b: {  	_ = 	snop  }
0x3c: {  	p2 =	seq.s32 s10, $0x1;
	s10 =	sld [smem:$0x3FB2]  }
0x3d: {  	_ =	shalt  }
0x3e: {  	_ =	shalt  }
0x3f: {  	_ =	shalt  }
0x40: {  	_ =	shalt  }
0x41: {  	_ =	shalt  }
0x42: {  	_ =	shalt  }
0x43: {  	_ =	shalt  }
0x44: {  	_ =	shalt  }
0x45: {  	_ =	shalt  }
0x46: {  	_ =	shalt  }
0x47: {  	_ =	shalt  }
0x48: {  	_ =	shalt  }
0x49: {  	_ =	shalt  }
0x4a: {  	_ =	shalt  }
0x4b: {  	_ =	shalt  }
0x4c: {  	_ =	shalt  }
0x4d: {  	_ =	shalt  }
0x4e: {  	_ =	shalt  }
0x4f: {  	_ =	shalt  }
0x50: {  	_ =	shalt  }
0x51: {  	_ =	shalt  }
0x52: {  	_ =	shalt  }
0x53: {  	_ =	shalt  }
0x54: {  	_ =	shalt  }
0x55: {  	_ =	shalt  }
0x56: {  	_ =	shalt  }
0x57: {  	_ =	shalt  }
0x58: {  	_ =	shalt  }
0x59: {  	_ =	shalt  }
0x5a: {  	_ =	shalt  }
0x5b: {  	_ =	shalt  }
0x5c: {  	_ =	shalt  }
0x5d: {  	_ =	shalt  }
0x5e: {  	_ =	shalt  }
0x5f: {  	_ =	shalt  }
0x60: {  	_ =	shalt  }
0x61: {  	_ =	shalt  }
0x62: {  	_ =	shalt  }
0x63: {  	_ =	shalt  }
0x64: {  	_ =	shalt  }
0x65: {  	_ =	shalt  }
0x66: {  	_ =	shalt  }
0x67: {  	_ =	shalt  }
0x68: {  	_ =	shalt  }
0x69: {  	_ =	shalt  }
0x6a: {  	_ =	shalt  }
0x6b: {  	_ =	shalt  }
0x6c: {  	_ =	shalt  }
0x6d: {  	_ =	shalt  }
0x6e: {  	_ =	shalt  }
0x6f: {  	_ =	shalt  }
0x70: {  	_ =	shalt  }
0x71: {  	_ =	shalt  }
0x72: {  	_ =	shalt  }
0x73: {  	_ =	shalt  }
0x74: {  	_ =	shalt  }
0x75: {  	_ =	shalt  }
0x76: {  	_ =	shalt  }
0x77: {  	_ =	shalt  }
0x78: {  	_ =	shalt  }
0x79: {  	_ =	shalt  }
0x7a: {  	_ =	shalt  }
0x7b: {  	_ =	shalt  }
0x7c: {  	_ =	shalt  }
0x7d: {  	_ =	shalt  }
0x7e: {  	_ =	shalt  }
0x7f: {  	_ =	shalt  }
0x80: {  	_ =	shalt  }
0x81: {  	_ =	shalt  }
0x82: {  	_ =	shalt  }
0x83: {  	_ =	shalt  }
0x84: {  	_ =	shalt  }
0x85: {  	_ =	shalt  }
0x86: {  	_ =	shalt  }
0x87: {  	_ =	shalt  }
.Lfunc_end0:
.L_simem_size_0:
called_computation_lowered:
.L_overlay_start_0:
0x88: {  	s2 =	sld [smem:$0x3FD9]  }
0x89: {  	s3 =	sld [smem:$0x3FFE];
	_ =	sdelay $0x1  }
0x8a: {  	s1 =	srdreg.scid  }
0x8b: {  	s0 =	sand.u32 $0x1, s1  }
0x8c: {  	s17 =	sshll.u32 s0, $0xA;
	s2 =	sadd.s32 s3, s2  }
0x8d: {  	s2 =	sadd.s32 s2, s17  }
0x8e: {  	[smem:$0x3FBE] =	sst s2  }
0x8f: {  	_ = 	snop  }
0x90: {  	s2 =	sld [smem:$0x3FD0];
	(tm) =	ssettm $0x1  }
0x91: {  	s18 =	sld [smem:$0x3FFB];
	_ =	sdelay $0x3  }
0x92: {  	_ =	strace s18  }
0x93: {  	s3 =	sld [smem:$0x3FFC];
	_ =	sdelay $0x3  }
0x94: {  	_ =	strace s3  }
0x95: {  	s3 =	sld [smem:$0x3FFD];
	_ =	sdelay $0x3  }
0x96: {  	_ =	strace s3  }
0x97: {  	_ =	strace $0x8FFFFFFF  }
0x98: {  	s19 =	sld [smem:$0x3FDB];
	_ =	sdelay $0x1  }
0x99: {  	s4 =	simm.s32 $_scs_section_size  }
0x9a: {  	s5 =	simm.s32 $_size__tile_overlayer_lowered;
	s6 =	simm.s32 $_tile_overlayer_lowered  }
0x9b: {  	s22 =	simm.s32 $0x1BFF;
	s21 =	sshll.u32 s6, $0x1;
	s3 =	sadd.s32 s4, s19  }
0x9c: {  	s7 =	simm.s32 $0x0;
	s20 =	sshll.u32 s5, $0x1;
	s5 =	sadd.s32 s21, s3  }
0x9d: {  	[timem:s7], [sflag:s22] =	dma.local [hbm:s5], s20  }
0x9e: {  	_ =	swait.ge [sflag:s22], s20  }
0x9f: {  	s4 =	ssub.s32 $0x0, s20;
	[sflag:s22] =	ssyncset.done $0x0  }
0xa0: {  	[sflag:s22] =	ssyncadd.s32 s4;
	_ =	sdelay $0x1  }
0xa1: {  	s23 =	simm.s32 $0x1B8B  }
0xa2: {  	_ =	swait.ge [sflag:s23], $0x1  }
0xa3: {  	[sflag:s23] =	ssyncset.done $0x0  }
0xa4: {  	s25 =	simm.s32 $0x1B8E;
	s24 =	sld [smem:$0x3FFE];
	[sflag:s23] =	ssyncadd.s32 $0xFFFFFFFF  }
0xa5: {  	s26 =	simm.s32 $execute0_lowered;
	[smem:$0x3FD2] =	sst s25  }
0xa6: {  	s5 =	sshll.u32 s26, $0x1;
	_ =	strace $0x80000046;
	[dreg:$0x1] =	wrdreg $0xFFFFFFFF  }
0xa7: {  	s28 =	simm.s32 $_size_execute0_lowered;
	s3 =	sadd.s32 s3, s5;
	[dreg:$0x0] =	wrdreg $0x0  }
0xa8: {  	s5 =	sshll.u32 s28, $0x1;
	[dreg:$0x2] =	wrdreg s3  }
0xa9: {  	[dreg:$0x3] =	wrdreg s5  }
0xaa: {  	[dreg:$0x4] =	wrdreg $0xC0  }
0xab: {  	_ =	task [dreg:s7], $0x5FFFF  }
0xac: {  	[dreg:$0x1] =	wrdreg $0xFFFFFFFF  }
0xad: {  	[dreg:$0x0] =	wrdreg $0x60  }
0xae: {  	[dreg:$0x2] =	wrdreg s2  }
0xaf: {  	[dreg:$0x3] =	wrdreg s24  }
0xb0: {  	[dreg:$0x4] =	wrdreg $0x9  }
0xb1: {  	_ =	task.clear_ibuf [dreg:s7], $0x5FFFF;
	_ =	strace $0x90000046  }
0xb2: {  	s29 =	simm.s32 $0x9;
	_ =	strace $0x80000048  }
0xb3: {  	_ =	swait.ge [sflag:s29], $0x1  }
0xb4: {  	[sflag:s29] =	ssyncadd.s32 $0xFFFFFFFF  }
0xb5: {  	_ =	strace $0x90000048  }
0xb6: {  	_ =	sfence  }
0xb7: {  	s30 =	sld [smem:$0x0];
	_ =	sdelay $0x2  }
0xb8: {  	s31 =	sshll.u32 s1, $0xD;
	s1 =	sshrl.u32 s1, $0x2  }
0xb9: {  	s3 =	sand.u32 $0x4000, s31;
	s1 =	sadd.s32 s1, s30  }
0xba: {  	s0 =	sor.u32 s3, s0;
	s1 =	sshll.u32 s1, $0x11  }
0xbb: {  	s0 =	sor.u32 s1, s0  }
0xbc: {  	s0 =	sadd.s32 $0x8F2B, s0  }
0xbd: {  	[sflag:s0] =	ssyncadd.remote.s32 $0x1  }
0xbe: {  	_ =	sfence.sel $0xFFFF  }
0xbf: {  	[dreg:$0x0] =	wrdreg $0xFFFFFFFF;
	(pc) =	sbr.abs _section_cstart, $3  }
0xc0: {  	[dreg:$0x1] =	wrdreg $0xFFFFFFFF  }
0xc1: {  	_ =	task.clear_ibuf [dreg:s7], $0x2FFFF;
	_ =	strace $0x9FFFFFFF  }
0xc2: {  	(tm) =	ssettm $0x7FFFFFFF  }
0xc3: {  	_ =	shalt  }
tec
execute0_lowered:
.L_overlay_start_1:
0x0: {  	(tag) =	ssettag $0x1  }
0x1: {  	s2 =	rddreg [dreg:$0x0];
	s0 =	srdreg.scid  }
0x2: {  	s11 =	stileid.u32;
	s1 =	rddreg [dreg:$0x1];
	s3 =	simm.s32 $0x0  }
0x3: {  	s14 =	simm.s32 $0x9;
	s15 =	simm.s32 $0x50;
	s16 =	simm.s32 $0x1900  }
0x4: {  	s17 =	simm.s32 $0x2D00;
	s19 =	simm.s32 $0x4100;
	s21 =	simm.s32 $0x5500  }
0x5: {  	s22 =	simm.s32 $0x1;
	s23 =	simm.s32 $0x2;
	s7 =	smul.u32 $0x3200, s11  }
0x6: {  	s28 =	simm.s32 $0x6;
	s0 =	sand.u32 $0x1, s0;
	s13 =	smul.u32 $0x19000, s11  }
0x7: {  	s29 =	simm.s32 $0x7;
	s4 =	sshll.u32 s11, $0x1;
	s9 =	smul.u32 $0x1900, s0  }
0x8: {  	s4 =	sor.u32 s0, s4;
	s25 =	ssub.s32 $0x2, s0;
	s0 =	smul.u32 $0xC800, s0  }
0x9: {  	s30 =	simm.s32 $0x8;
	[smem:$0x7FF] =	sst s3;
	s5 =	smul.u32 $0x1900, s4  }
0xa: {  	s31 =	simm.s32 $0x0;
	_ =	strace $0x80000047;
	s6 =	smul.u32 $0xC800, s4  }
0xb: {  	s8 =	sshrl.u32 s25, $0x1;
	s26 =	sadd.s32 s9, s7;
	s24 =	sshrl.u32 s5, $0x3  }
0xc: {  	s5 =	ssub.s32 s25, s8;
	s9 =	sshll.u32 s26, $0x3;
	s25 =	simm.s32 $0x4  }
0xd: {  	s26 =	simm.s32 $0x5;
	s4 =	sadd.s32 s24, s1;
	s1 =	sadd.s32 $0xA400, s1  }
0xe: {  	s5 =	smax.u32 s5, $0x1;
	s24 =	simm.s32 $0x3;
	s4 =	sadd.s32 $0x4000, s4  }
0xf: {  	s10 =	sadd.s32 s1, s6;
	s12 =	sadd.s32 s9, s1;
	s1 =	sadd.s32 s13, s1  }
0x10: {  	[dreg:$0x3] =	wrdreg s4;
	s6 =	sadd.s32 $0xBE00, s10;
	s7 =	sadd.s32 $0xC080, s10  }
0x11: {  	s8 =	sadd.s32 $0xC300, s10;
	s9 =	sadd.s32 $0xC580, s10;
	s10 =	sadd.s32 $0x780, s12  }
0x12: {  	s11 =	sadd.s32 $0x500, s12;
	s12 =	sadd.s32 $0x280, s12;
	s13 =	sadd.s32 s0, s1  }
.LBB2_1:
0x13: {  	s0 =	rddreg [dreg:$0x3]  }
0x14: {  	[tilespmem:s3], [sflag:$0x9] =	stream.linear.gather [hbm4b:s0+s3], $0x1900, $0x38;
	[tilespmem:$0x6900] =	vst v63  }
0x15: {  	_ =	swait.ge [sflag:s14], $0x1900  }
0x16: {  	[sflag:s14] =	ssyncset.done $0x0  }
0x17: {  	[sflag:s14] =	ssyncadd.s32 $0xFFFFE700  }
0x18: {  	[tilespmem:s16], [sflag:$0x1] =	stream.indirect.gather [hbm4b:s2+s15], $0x40, s3, s15, $0xb8;
	[tilespmem:$0x6900] =	vst v63  }
0x19: {  	_ = 	snop  }
0x1a: {  	[tilespmem:s17], [sflag:$0x2] =	stream.indirect.gather [hbm4b:s2+s15], $0x40, s15, s15, $0xb8;
	[tilespmem:$0x6900] =	vst v63  }
0x1b: {  	s20 =	simm.s32 $0xA0  }
0x1c: {  	[tilespmem:s19], [sflag:$0x3] =	stream.indirect.gather [hbm4b:s2+s15], $0x40, s20, s15, $0xb8;
	[tilespmem:$0x6900] =	vst v63  }
0x1d: {  	s1 =	simm.s32 $0xF0  }
0x1e: {  	[tilespmem:s21], [sflag:$0x4] =	stream.indirect.gather [hbm4b:s2+s15], $0x40, s1, s15, $0xb8;
	[tilespmem:$0x6900] =	vst v63  }
0x1f: {  	_ =	swait.ge [sflag:s22], $0x1400  }
0x20: {  	[sflag:s22] =	ssyncset.done $0x0  }
0x21: {  	s4 =	sadd.s32 $0x0, s13;
	[sflag:s22] =	ssyncadd.s32 $0xFFFFEC00  }
0x22: {  	[hbm4b:s4+s3] =	stream.linear.scatter [tilespmem:s16], [sflag:$0x5], $0x1400, $0x38;
	[tilespmem:$0x6900] =	vst v63  }
0x23: {  	_ =	swait.ge [sflag:s23], $0x1400  }
0x24: {  	[sflag:s23] =	ssyncset.done $0x0  }
0x25: {  	s18 =	sadd.s32 $0x0, s12;
	[sflag:s23] =	ssyncadd.s32 $0xFFFFEC00  }
0x26: {  	[hbm4b:s18+s3] =	stream.linear.scatter [tilespmem:s17], [sflag:$0x6], $0x1400, $0x38;
	[tilespmem:$0x6900] =	vst v63  }
0x27: {  	_ =	swait.ge [sflag:s24], $0x1400  }
0x28: {  	[sflag:s24] =	ssyncset.done $0x0  }
0x29: {  	s20 =	sadd.s32 $0x0, s11;
	[sflag:s24] =	ssyncadd.s32 $0xFFFFEC00  }
0x2a: {  	[hbm4b:s20+s3] =	stream.linear.scatter [tilespmem:s19], [sflag:$0x7], $0x1400, $0x38;
	[tilespmem:$0x6900] =	vst v63  }
0x2b: {  	_ =	swait.ge [sflag:s25], $0x1400  }
0x2c: {  	[sflag:s25] =	ssyncset.done $0x0  }
0x2d: {  	s1 =	sadd.s32 $0x0, s10;
	[sflag:s25] =	ssyncadd.s32 $0xFFFFEC00  }
0x2e: {  	[hbm4b:s1+s3] =	stream.linear.scatter [tilespmem:s21], [sflag:$0x8], $0x1400, $0x38;
	[tilespmem:$0x6900] =	vst v63  }
0x2f: {  	_ =	swait.ge [sflag:s26], $0x1400  }
0x30: {  	[sflag:s26] =	ssyncset.done $0x0  }
0x31: {  	s4 =	simm.s32 $0x140;
	[sflag:s26] =	ssyncadd.s32 $0xFFFFEC00  }
0x32: {  	[tilespmem:s16], [sflag:$0x1] =	stream.indirect.gather [hbm4b:s2+s15], $0x40, s4, s15, $0xb8;
	[tilespmem:$0x6900] =	vst v63  }
0x33: {  	_ =	swait.ge [sflag:s28], $0x1400  }
0x34: {  	[sflag:s28] =	ssyncset.done $0x0  }
0x35: {  	s18 =	simm.s32 $0x190;
	[sflag:s28] =	ssyncadd.s32 $0xFFFFEC00  }
0x36: {  	[tilespmem:s17], [sflag:$0x2] =	stream.indirect.gather [hbm4b:s2+s15], $0x40, s18, s15, $0xb8;
	[tilespmem:$0x6900] =	vst v63  }
0x37: {  	_ =	swait.ge [sflag:s29], $0x1400  }
0x38: {  	[sflag:s29] =	ssyncset.done $0x0  }
0x39: {  	s20 =	simm.s32 $0x1E0;
	[sflag:s29] =	ssyncadd.s32 $0xFFFFEC00  }
0x3a: {  	[tilespmem:s19], [sflag:$0x3] =	stream.indirect.gather [hbm4b:s2+s15], $0x40, s20, s15, $0xb8;
	[tilespmem:$0x6900] =	vst v63  }
0x3b: {  	_ =	swait.ge [sflag:s30], $0x1400  }
0x3c: {  	s0 =	simm.s32 $0xA00;
	[sflag:s30] =	ssyncset.done $0x0  }
0x3d: {  	s1 =	simm.s32 $0x230;
	s18 =	simm.s32 $0x370;
	[sflag:s30] =	ssyncadd.s32 $0xFFFFEC00  }
.LBB2_2:
0x3e: {  	[tilespmem:s21], [sflag:$0x4] =	stream.indirect.gather [hbm4b:s2+s15], $0x40, s1, s15, $0xb8;
	[tilespmem:$0x6900] =	vst v63  }
0x3f: {  	s20 =	smov.u32 s0;
	s1 =	smov.u32 s18  }
0x40: {  	p0 =	sne.s32 s0, $0xB400;
	s0 =	sadd.s32 $0xA00, s0;
	_ =	swait.ge [sflag:s22], $0x1400  }
0x41: {  	[sflag:s22] =	ssyncset.done $0x0  }
0x42: {  	s4 =	sadd.s32 s20, s13;
	[sflag:s22] =	ssyncadd.s32 $0xFFFFEC00  }
0x43: {  	[hbm4b:s4+s3] =	stream.linear.scatter [tilespmem:s16], [sflag:$0x5], $0x1400, $0x38;
	[tilespmem:$0x6900] =	vst v63  }
0x44: {  	_ =	swait.ge [sflag:s23], $0x1400  }
0x45: {  	[sflag:s23] =	ssyncset.done $0x0  }
0x46: {  	s4 =	sadd.s32 s20, s12;
	[sflag:s23] =	ssyncadd.s32 $0xFFFFEC00  }
0x47: {  	[hbm4b:s4+s3] =	stream.linear.scatter [tilespmem:s17], [sflag:$0x6], $0x1400, $0x38;
	[tilespmem:$0x6900] =	vst v63  }
0x48: {  	_ =	swait.ge [sflag:s24], $0x1400  }
0x49: {  	[sflag:s24] =	ssyncset.done $0x0  }
0x4a: {  	s4 =	sadd.s32 s20, s11;
	[sflag:s24] =	ssyncadd.s32 $0xFFFFEC00  }
0x4b: {  	[hbm4b:s4+s3] =	stream.linear.scatter [tilespmem:s19], [sflag:$0x7], $0x1400, $0x38;
	[tilespmem:$0x6900] =	vst v63  }
0x4c: {  	_ =	swait.ge [sflag:s25], $0x1400  }
0x4d: {  	[sflag:s25] =	ssyncset.done $0x0  }
0x4e: {  	s4 =	sadd.s32 s20, s10;
	[sflag:s25] =	ssyncadd.s32 $0xFFFFEC00  }
0x4f: {  	[hbm4b:s4+s3] =	stream.linear.scatter [tilespmem:s21], [sflag:$0x8], $0x1400, $0x38;
	[tilespmem:$0x6900] =	vst v63  }
0x50: {  	_ =	swait.ge [sflag:s26], $0x1400  }
0x51: {  	[sflag:s26] =	ssyncset.done $0x0  }
0x52: {  	s4 =	sadd.s32 $0xFFFFFF10, s18;
	[sflag:s26] =	ssyncadd.s32 $0xFFFFEC00  }
0x53: {  	[tilespmem:s16], [sflag:$0x1] =	stream.indirect.gather [hbm4b:s2+s15], $0x40, s4, s15, $0xb8;
	[tilespmem:$0x6900] =	vst v63  }
0x54: {  	_ =	swait.ge [sflag:s28], $0x1400  }
0x55: {  	[sflag:s28] =	ssyncset.done $0x0  }
0x56: {  	s4 =	sadd.s32 $0xFFFFFF60, s18;
	[sflag:s28] =	ssyncadd.s32 $0xFFFFEC00  }
0x57: {  	[tilespmem:s17], [sflag:$0x2] =	stream.indirect.gather [hbm4b:s2+s15], $0x40, s4, s15, $0xb8;
	[tilespmem:$0x6900] =	vst v63  }
0x58: {  	_ =	swait.ge [sflag:s29], $0x1400  }
0x59: {  	[sflag:s29] =	ssyncset.done $0x0  }
.Ltmp0:
0x5a: {  	s4 =	sadd.s32 $0xFFFFFFB0, s18;
	[sflag:s29] =	ssyncadd.s32 $0xFFFFEC00;
	(pc) =	sbr.rel @p0 .LBB2_2-.Ltmp0, $4  }
0x5b: {  	[tilespmem:s19], [sflag:$0x3] =	stream.indirect.gather [hbm4b:s2+s15], $0x40, s4, s15, $0xb8;
	[tilespmem:$0x6900] =	vst v63  }
0x5c: {  	_ =	swait.ge [sflag:s30], $0x1400  }
0x5d: {  	[sflag:s30] =	ssyncset.done $0x0  }
0x5e: {  	s18 =	sadd.s32 $0x140, s18;
	[sflag:s30] =	ssyncadd.s32 $0xFFFFEC00  }
0x5f: {  	[tilespmem:s21], [sflag:$0x4] =	stream.indirect.gather [hbm4b:s2+s15], $0x40, s1, s15, $0xb8;
	[tilespmem:$0x6900] =	vst v63  }
0x60: {  	_ =	swait.ge [sflag:s22], $0x1400  }
0x61: {  	[sflag:s22] =	ssyncset.done $0x0  }
0x62: {  	[sflag:s22] =	ssyncadd.s32 $0xFFFFEC00  }
0x63: {  	[hbm4b:s6+s3] =	stream.linear.scatter [tilespmem:s16], [sflag:$0x5], $0x1400, $0x38;
	[tilespmem:$0x6900] =	vst v63  }
0x64: {  	_ =	swait.ge [sflag:s23], $0x1400  }
0x65: {  	[sflag:s23] =	ssyncset.done $0x0  }
0x66: {  	[sflag:s23] =	ssyncadd.s32 $0xFFFFEC00  }
0x67: {  	[hbm4b:s7+s3] =	stream.linear.scatter [tilespmem:s17], [sflag:$0x6], $0x1400, $0x38;
	[tilespmem:$0x6900] =	vst v63  }
0x68: {  	_ =	swait.ge [sflag:s24], $0x1400  }
0x69: {  	[sflag:s24] =	ssyncset.done $0x0  }
0x6a: {  	[sflag:s24] =	ssyncadd.s32 $0xFFFFEC00  }
0x6b: {  	[hbm4b:s8+s3] =	stream.linear.scatter [tilespmem:s19], [sflag:$0x7], $0x1400, $0x38;
	[tilespmem:$0x6900] =	vst v63  }
0x6c: {  	_ =	swait.ge [sflag:s25], $0x1400  }
0x6d: {  	[sflag:s25] =	ssyncset.done $0x0  }
0x6e: {  	[sflag:s25] =	ssyncadd.s32 $0xFFFFEC00  }
0x6f: {  	[hbm4b:s9+s3] =	stream.linear.scatter [tilespmem:s21], [sflag:$0x8], $0x1400, $0x38;
	[tilespmem:$0x6900] =	vst v63  }
0x70: {  	_ =	swait.ge [sflag:s26], $0x1400  }
0x71: {  	[sflag:s26] =	ssyncset.done $0x0  }
0x72: {  	[sflag:s26] =	ssyncadd.s32 $0xFFFFEC00  }
0x73: {  	_ =	swait.ge [sflag:s28], $0x1400  }
0x74: {  	[sflag:s28] =	ssyncset.done $0x0  }
0x75: {  	s31 =	sadd.s32 $0x1, s31;
	[sflag:s28] =	ssyncadd.s32 $0xFFFFEC00  }
0x76: {  	p0 =	sne.s32 s31, s5;
	_ =	swait.ge [sflag:s29], $0x1400  }
.Ltmp1:
0x77: {  	[sflag:s29] =	ssyncset.done $0x0;
	(pc) =	sbr.rel @p0 .LBB2_1-.Ltmp1, $4  }
0x78: {  	[sflag:s29] =	ssyncadd.s32 $0xFFFFEC00  }
0x79: {  	_ =	swait.ge [sflag:s30], $0x1400  }
0x7a: {  	[sflag:s30] =	ssyncset.done $0x0  }
0x7b: {  	[sflag:s30] =	ssyncadd.s32 $0xFFFFEC00  }
0x7c: {  	_ =	sfence.sel $0x180000  }
0x7d: {  	[bflag:$0x0] =	sbarrier.arrive $0xFFFF  }
0x7e: {  	_ =	strace $0x90000047  }
0x7f: {  	s0 =	stileid.u32;
	[bflag:$0x2] =	sbarrier.arrive $0xFFFF  }
0x80: {  	p0 =	sne.s32 s0, $0x0;
	s0 =	rddreg [dreg:$0x2]  }
0x81: {  	s0 =	sadd.s32 @!p0 $0x100000, s0  }
0x82: {  	[sflag:s0] =	ssyncadd.tile.s32 @!p0 $0x1;
	_ =	shalt  }
.Lfunc_end2:
_tile_overlayer_lowered:
.L_overlay_start_2:
0x83: {  	(tag) =	ssettag $0x2  }
0x84: {  	s0 =	rddreg [dreg:$0x0];
	s2 =	stileid.u32  }
0x85: {  	s1 =	rddreg [dreg:$0x1];
	p0 =	sne.s32 s2, $0x0  }
0x86: {  	s3 =	rddreg [dreg:$0x2];
	[bflag:$0x3] =	sbarrier.arrive $0xFFFF;
	s2 =	simm.s32 @!p0 $0x1C0A  }
0x87: {  	[timem:s3], [sflag:s2] =	dma.local @!p0 [hbm:s0], s1  }
0x88: {  	s0 =	simm.s32 @!p0 $0xA  }
0x89: {  	_ =	swait.ge @!p0 [sflag:s0], s1  }
0x8a: {  	s1 =	ssub.s32 @!p0 $0x0, s1;
	[sflag:s0] =	ssyncset.done @!p0 $0x0  }
0x8b: {  	[sflag:s0] =	ssyncadd.s32 @!p0 s1  }
0x8c: {  	[bflag:$0x3] =	sbarrier.arrive $0xFFFF  }
0x8d: {  	_ =	shalt  }

// kernel: kernel.13.cloned.1.call-start
scs
__scs_entry_jumppad:
0x0: {  	(pc) =	sbr.rel $0x88, $3  }
0x1: {  	(tag) =	ssettag $0x0;
	lr =	simm.s32 $0x1  }
0x2: {  	[smem:$0x3F97] =	sst lr;
	_ =	strace $0xD0000000  }
0x3: {  	_ = 	snop  }
0x4: {  	_ = 	snop  }
0x5: {  	_ = 	snop  }
0x6: {  	_ = 	snop  }
0x7: {  	_ = 	snop  }
__scs_overlays_trampoline_lowered:
0x8: {  	[smem:$0x3FA6] =	sst s0  }
0x9: {  	[smem:$0x3FA7] =	sst s1  }
0xa: {  	[smem:$0x3FA8] =	sst s2  }
0xb: {  	[smem:$0x3FA9] =	sst s3  }
0xc: {  	[smem:$0x3FAA] =	sst s4  }
0xd: {  	[smem:$0x3FAB] =	sst s5  }
0xe: {  	[smem:$0x3FAC] =	sst s6  }
0xf: {  	[smem:$0x3FAD] =	sst s7  }
0x10: {  	[smem:$0x3FAE] =	sst s8  }
0x11: {  	[smem:$0x3FAF] =	sst s9;
	s0 =	simm.s32 @!p0 $0x0  }
0x12: {  	s1 =	sld [smem:$0x3F95];
	s0 =	simm.s32 @p0 $0x1  }
0x13: {  	[smem:$0x3FB0] =	sst s0;
	s0 =	simm.s32 @!p1 $0x0  }
0x14: {  	s2 =	sld [smem:$0x3F94];
	s0 =	simm.s32 @p1 $0x1  }
0x15: {  	[smem:$0x3FB1] =	sst s0;
	s0 =	simm.s32 @!p2 $0x0  }
0x16: {  	s3 =	sld [smem:$0x3FDB];
	s0 =	simm.s32 @p2 $0x1  }
0x17: {  	s4 =	simm.s32 $0x1BF5;
	[smem:$0x3FB3] =	sst s0  }
0x18: {  	s0 =	sld [smem:$0x3F96];
	_ =	swait.ge [sflag:s4], $0x0  }
0x19: {  	s7 =	sld [smem:$0x3F97]  }
0x1a: {  	s8 =	sadd.s32 $0xFFFFE003, lr  }
0x1b: {  	s9 =	sadd.s32 $0xFFFFFEF7, lr;
	s5 =	simm.s32 $0xFFFFFFFF;
	p2 =	slt.u32 s8, $0xFFFFF086  }
0x1c: {  	p1 =	slt.u32 s9, $0xF7A;
	s5 =	simm.s32 @!p2 $0x0  }
0x1d: {  	s5 =	simm.s32 @p1 $0x1;
	p0 =	seq.s32 s7, s2  }
0x1e: {  	s7 =	smul.u32 @!p0 $0xF7A, s2;
	p2 =	seq.s32 @!p0 s5, $0x0  }
0x1f: {  	s9 =	smul.u32 $0xF7A, s1;
	s8 =	simm.s32 @!p0 $0x1BF5;
	p2 =	por !p2, p0  }
0x20: {  	[sflag:s8] =	ssyncset.s32 @!p0 $0xFFFFF086;
	s6 =	sadd.s32 @!p0 s3, s7;
	s7 =	simm.s32 @!p0 $0x108  }
0x21: {  	s3 =	sadd.s32 s3, s9;
	s6 =	sadd.s32 @!p0 $0x88, s6;
	s7 =	simm.s32 @p2 $0x1082  }
0x22: {  	[simem:s7], [sflag:s8] =	dma.local @!p0 [hbm:s6], $0xF7A  }
0x23: {  	s9 =	sor.u32 $0xD0000000, s2;
	s6 =	simm.s32 $0x108;
	_ =	swait.ge @!p0 [sflag:s8], $0x0  }
0x24: {  	s3 =	sadd.s32 $0x88, s3;
	s6 =	simm.s32 @!p1 $0x1082;
	[sflag:s4] =	ssyncset.s32 $0xFFFFF086  }
0x25: {  	[simem:s6], [sflag:s4] =	dma.local [hbm:s3], $0xF7A  }
0x26: {  	[smem:$0x3F97] =	sst s1;
	(tag) =	ssettag s2;
	_ =	strace s9  }
0x27: {  	s1 =	sld [smem:$0x3FA7]  }
0x28: {  	s2 =	sld [smem:$0x3FA8]  }
0x29: {  	s4 =	sld [smem:$0x3FAA]  }
0x2a: {  	p0 =	seq.s32 s5, $0x0;
	s5 =	sld [smem:$0x3FAB]  }
0x2b: {  	s6 =	sld [smem:$0x3FAC]  }
0x2c: {  	s7 =	sld [smem:$0x3FAD]  }
0x2d: {  	s3 =	simm.s32 $0x108;
	s8 =	sld [smem:$0x3FAE]  }
0x2e: {  	s3 =	simm.s32 @!p0 $0x1082;
	s9 =	sld [smem:$0x3FAF]  }
0x2f: {  	lr =	sadd.s32 s0, s3;
	s0 =	sld [smem:$0x3FA6]  }
0x30: {  	s3 =	sld [smem:$0x3FA9]  }
0x31: {  	[smem:$0x3FB2] =	sst s10  }
0x32: {  	s10 =	sld [smem:$0x3FB0];
	_ =	sdelay $0x3  }
0x33: {  	p0 =	seq.s32 s10, $0x1;
	s10 =	sld [smem:$0x3FB2];
	_ =	sdelay $0x3  }
0x34: {  	[smem:$0x3FB2] =	sst s10  }
0x35: {  	s10 =	sld [smem:$0x3FB1];
	_ =	sdelay $0x3  }
0x36: {  	p1 =	seq.s32 s10, $0x1;
	s10 =	sld [smem:$0x3FB2];
	_ =	sdelay $0x3  }
0x37: {  	[smem:$0x3FB2] =	sst s10  }
0x38: {  	s10 =	sld [smem:$0x3FB3]  }
0x39: {  	_ = 	snop;
	(pc) =	sbr.ind lr, $3  }
0x3a: {  	_ = 	snop  }
0x3b: {  	_ = 	snop  }
0x3c: {  	p2 =	seq.s32 s10, $0x1;
	s10 =	sld [smem:$0x3FB2]  }
0x3d: {  	_ =	shalt  }
0x3e: {  	_ =	shalt  }
0x3f: {  	_ =	shalt  }
0x40: {  	_ =	shalt  }
0x41: {  	_ =	shalt  }
0x42: {  	_ =	shalt  }
0x43: {  	_ =	shalt  }
0x44: {  	_ =	shalt  }
0x45: {  	_ =	shalt  }
0x46: {  	_ =	shalt  }
0x47: {  	_ =	shalt  }
0x48: {  	_ =	shalt  }
0x49: {  	_ =	shalt  }
0x4a: {  	_ =	shalt  }
0x4b: {  	_ =	shalt  }
0x4c: {  	_ =	shalt  }
0x4d: {  	_ =	shalt  }
0x4e: {  	_ =	shalt  }
0x4f: {  	_ =	shalt  }
0x50: {  	_ =	shalt  }
0x51: {  	_ =	shalt  }
0x52: {  	_ =	shalt  }
0x53: {  	_ =	shalt  }
0x54: {  	_ =	shalt  }
0x55: {  	_ =	shalt  }
0x56: {  	_ =	shalt  }
0x57: {  	_ =	shalt  }
0x58: {  	_ =	shalt  }
0x59: {  	_ =	shalt  }
0x5a: {  	_ =	shalt  }
0x5b: {  	_ =	shalt  }
0x5c: {  	_ =	shalt  }
0x5d: {  	_ =	shalt  }
0x5e: {  	_ =	shalt  }
0x5f: {  	_ =	shalt  }
0x60: {  	_ =	shalt  }
0x61: {  	_ =	shalt  }
0x62: {  	_ =	shalt  }
0x63: {  	_ =	shalt  }
0x64: {  	_ =	shalt  }
0x65: {  	_ =	shalt  }
0x66: {  	_ =	shalt  }
0x67: {  	_ =	shalt  }
0x68: {  	_ =	shalt  }
0x69: {  	_ =	shalt  }
0x6a: {  	_ =	shalt  }
0x6b: {  	_ =	shalt  }
0x6c: {  	_ =	shalt  }
0x6d: {  	_ =	shalt  }
0x6e: {  	_ =	shalt  }
0x6f: {  	_ =	shalt  }
0x70: {  	_ =	shalt  }
0x71: {  	_ =	shalt  }
0x72: {  	_ =	shalt  }
0x73: {  	_ =	shalt  }
0x74: {  	_ =	shalt  }
0x75: {  	_ =	shalt  }
0x76: {  	_ =	shalt  }
0x77: {  	_ =	shalt  }
0x78: {  	_ =	shalt  }
0x79: {  	_ =	shalt  }
0x7a: {  	_ =	shalt  }
0x7b: {  	_ =	shalt  }
0x7c: {  	_ =	shalt  }
0x7d: {  	_ =	shalt  }
0x7e: {  	_ =	shalt  }
0x7f: {  	_ =	shalt  }
0x80: {  	_ =	shalt  }
0x81: {  	_ =	shalt  }
0x82: {  	_ =	shalt  }
0x83: {  	_ =	shalt  }
0x84: {  	_ =	shalt  }
0x85: {  	_ =	shalt  }
0x86: {  	_ =	shalt  }
0x87: {  	_ =	shalt  }
.Lfunc_end0:
.L_simem_size_0:
called_computation.1_lowered:
.L_overlay_start_0:
0x88: {  	s2 =	sld [smem:$0x3FD9]  }
0x89: {  	s3 =	sld [smem:$0x3FFE];
	_ =	sdelay $0x1  }
0x8a: {  	s1 =	srdreg.scid  }
0x8b: {  	s0 =	sand.u32 $0x1, s1  }
0x8c: {  	s17 =	sshll.u32 s0, $0xA;
	s2 =	sadd.s32 s3, s2  }
0x8d: {  	s2 =	sadd.s32 s2, s17  }
0x8e: {  	[smem:$0x3FBE] =	sst s2  }
0x8f: {  	_ = 	snop  }
0x90: {  	s18 =	sld [smem:$0x3FD0];
	(tm) =	ssettm $0x1  }
0x91: {  	s19 =	sld [smem:$0x3FFB];
	_ =	sdelay $0x3  }
0x92: {  	_ =	strace s19  }
0x93: {  	s2 =	sld [smem:$0x3FFC];
	_ =	sdelay $0x3  }
0x94: {  	_ =	strace s2  }
0x95: {  	s2 =	sld [smem:$0x3FFD];
	_ =	sdelay $0x3  }
0x96: {  	_ =	strace s2  }
0x97: {  	_ =	strace $0x8FFFFFFF  }
0x98: {  	s20 =	sld [smem:$0x3FDB];
	_ =	sdelay $0x1  }
0x99: {  	s4 =	simm.s32 $_scs_section_size  }
0x9a: {  	s5 =	simm.s32 $_size__tile_overlayer_lowered;
	s6 =	simm.s32 $_tile_overlayer_lowered  }
0x9b: {  	s7 =	simm.s32 $0x1BFF;
	s21 =	sshll.u32 s6, $0x1;
	s4 =	sadd.s32 s4, s20  }
0x9c: {  	s22 =	simm.s32 $0x0;
	s5 =	sshll.u32 s5, $0x1;
	s6 =	sadd.s32 s21, s4  }
0x9d: {  	[timem:s22], [sflag:s7] =	dma.local [hbm:s6], s5  }
0x9e: {  	_ =	swait.ge [sflag:s7], s5  }
0x9f: {  	s5 =	ssub.s32 $0x0, s5;
	[sflag:s7] =	ssyncset.done $0x0  }
0xa0: {  	[sflag:s7] =	ssyncadd.s32 s5;
	_ =	sdelay $0x1  }
0xa1: {  	s23 =	simm.s32 $0x1B8B  }
0xa2: {  	_ =	swait.ge [sflag:s23], $0x1  }
0xa3: {  	[sflag:s23] =	ssyncset.done $0x0  }
0xa4: {  	[sflag:s23] =	ssyncadd.s32 $0xFFFFFFFF  }
0xa5: {  	s5 =	sld [smem:$0x0]  }
0xa6: {  	s6 =	sand.u32 $0xFFFFFFFE, s1  }
0xa7: {  	p0 =	sne.s32 s1, s6  }
0xa8: {  	s6 =	sshll.u32 @p0 s6, $0xE  }
0xa9: {  	s6 =	sadd.s32 @p0 $0x11B8D, s6;
	s7 =	sshll.u32 @p0 s5, $0x11  }
0xaa: {  	s6 =	sor.u32 @p0 s7, s6  }
0xab: {  	[sflag:s6] =	ssyncadd.remote.s32 @p0 $0x1;
	_ =	sdelay $0x1  }
0xac: {  	s6 =	simm.s32 @p0 $0x1B8D  }
0xad: {  	_ =	swait.eq @p0 [sflag:s6], $0x1  }
0xae: {  	[sflag:s6] =	ssyncadd.s32 @p0 $0xFFFFFFFF  }
0xaf: {  	s7 =	sshll.u32 @!p0 s1, $0xE  }
0xb0: {  	s7 =	sor.u32 @!p0 $0x4000, s7;
	s6 =	simm.s32 @!p0 $0x1B8D  }
0xb1: {  	s5 =	sshll.u32 @!p0 s5, $0x11;
	s7 =	sadd.s32 @!p0 $0x11B8D, s7;
	_ =	swait.eq @!p0 [sflag:s6], $0x1  }
0xb2: {  	s5 =	sor.u32 @!p0 s5, s7;
	[sflag:s6] =	ssyncadd.s32 @!p0 $0xFFFFFFFF  }
0xb3: {  	s25 =	simm.s32 $0x1B8E;
	s24 =	sld [smem:$0x3FFE];
	[sflag:s5] =	ssyncadd.remote.s32 @!p0 $0x1  }
0xb4: {  	s26 =	simm.s32 $execute0_lowered;
	[smem:$0x3FD2] =	sst s25  }
0xb5: {  	s6 =	sshll.u32 s26, $0x1;
	_ =	strace $0x80000049;
	[dreg:$0x1] =	wrdreg $0xFFFFFFFF  }
0xb6: {  	s28 =	simm.s32 $_size_execute0_lowered;
	s4 =	sadd.s32 s4, s6;
	[dreg:$0x0] =	wrdreg $0x0  }
0xb7: {  	s6 =	sshll.u32 s28, $0x1;
	[dreg:$0x2] =	wrdreg s4  }
0xb8: {  	[dreg:$0x3] =	wrdreg s6  }
0xb9: {  	[dreg:$0x4] =	wrdreg $0xC0  }
0xba: {  	_ =	task [dreg:s22], $0x5FFFF  }
0xbb: {  	[dreg:$0x1] =	wrdreg $0xFFFFFFFF  }
0xbc: {  	[dreg:$0x0] =	wrdreg $0x60  }
0xbd: {  	[dreg:$0x2] =	wrdreg s18  }
0xbe: {  	[dreg:$0x3] =	wrdreg s24  }
0xbf: {  	[dreg:$0x4] =	wrdreg $0xA  }
0xc0: {  	_ =	task.clear_ibuf [dreg:s22], $0x5FFFF;
	_ =	strace $0x90000049  }
0xc1: {  	s29 =	simm.s32 $0xA;
	_ =	strace $0x8000004B  }
0xc2: {  	_ =	swait.ge [sflag:s29], $0x1  }
0xc3: {  	[sflag:s29] =	ssyncadd.s32 $0xFFFFFFFF  }
0xc4: {  	_ =	strace $0x9000004B  }
0xc5: {  	_ =	sfence  }
0xc6: {  	s30 =	sld [smem:$0x0];
	_ =	sdelay $0x2  }
0xc7: {  	s31 =	sshll.u32 s1, $0xD;
	s1 =	sshrl.u32 s1, $0x2  }
0xc8: {  	s4 =	sand.u32 $0x4000, s31;
	s1 =	sadd.s32 s1, s30  }
0xc9: {  	s0 =	sor.u32 s4, s0;
	s1 =	sshll.u32 s1, $0x11  }
0xca: {  	s0 =	sor.u32 s1, s0  }
0xcb: {  	s0 =	sadd.s32 $0x8F2B, s0  }
0xcc: {  	[sflag:s0] =	ssyncadd.remote.s32 $0x1  }
0xcd: {  	_ =	sfence.sel $0xFFFF  }
0xce: {  	[dreg:$0x0] =	wrdreg $0xFFFFFFFF;
	(pc) =	sbr.abs _section_cstart, $3  }
0xcf: {  	[dreg:$0x1] =	wrdreg $0xFFFFFFFF  }
0xd0: {  	_ =	task.clear_ibuf [dreg:s22], $0x2FFFF;
	_ =	strace $0x9FFFFFFF  }
0xd1: {  	(tm) =	ssettm $0x7FFFFFFF  }
tec
execute0_lowered:
.L_overlay_start_1:
0x0: {  	(tag) =	ssettag $0x1  }
0x1: {  	s0 =	srdreg.scid;
	s2 =	rddreg [dreg:$0x0]  }
0x2: {  	s11 =	stileid.u32;
	s4 =	rddreg [dreg:$0x1]  }
0x3: {  	s3 =	simm.s32 $0x0;
	s15 =	simm.s32 $0x9;
	s16 =	simm.s32 $0x50  }
0x4: {  	s17 =	simm.s32 $0xE10;
	s18 =	simm.s32 $0x2210;
	s20 =	simm.s32 $0x3610  }
0x5: {  	s22 =	simm.s32 $0x4A10;
	s28 =	simm.s32 $0x5;
	s8 =	smul.u32 $0x1C20, s11  }
0x6: {  	s29 =	simm.s32 $0x6;
	s0 =	sand.u32 $0x1, s0;
	s13 =	smul.u32 $0xE100, s11  }
0x7: {  	s30 =	simm.s32 $0x7;
	s1 =	sshll.u32 s11, $0x1;
	s9 =	smul.u32 $0xE10, s0  }
0x8: {  	s1 =	sor.u32 s0, s1;
	s23 =	ssub.s32 $0x2, s0;
	s0 =	smul.u32 $0x7080, s0  }
0x9: {  	[smem:$0x7FF] =	sst s3;
	s12 =	sadd.s32 $0x19DE00, s4;
	s5 =	smul.u32 $0xE10, s1  }
0xa: {  	s31 =	simm.s32 $0x8;
	_ =	strace $0x8000004A;
	s6 =	smul.u32 $0x38400, s1  }
0xb: {  	s1 =	smul.u32 $0x7080, s1;
	s7 =	sshrl.u32 s23, $0x1;
	s26 =	sadd.s32 s13, s12  }
0xc: {  	s7 =	ssub.s32 s23, s7;
	s9 =	sadd.s32 s9, s8;
	s23 =	simm.s32 $0x1  }
0xd: {  	s5 =	sshrl.u32 s5, $0x3;
	s6 =	sshrl.u32 s6, $0x3;
	s1 =	sadd.s32 s12, s1  }
0xe: {  	s10 =	sshll.u32 s9, $0x3;
	s5 =	sadd.s32 s5, s4;
	s6 =	sadd.s32 s12, s6  }
0xf: {  	s8 =	sadd.s32 $0x6680, s1;
	s9 =	sadd.s32 $0x6900, s1;
	s14 =	sadd.s32 s12, s10  }
0x10: {  	s10 =	sadd.s32 $0x6B80, s1;
	s24 =	sadd.s32 $0x19A400, s5;
	s25 =	sadd.s32 $0x6E00, s6  }
0x11: {  	s6 =	smax.u32 s7, $0x1;
	s7 =	sadd.s32 $0x6400, s1;
	s11 =	sadd.s32 $0x780, s14  }
0x12: {  	s12 =	sadd.s32 $0x500, s14;
	s13 =	sadd.s32 $0x280, s14;
	s14 =	sadd.s32 s0, s26  }
0x13: {  	s26 =	simm.s32 $0x4;
	s0 =	simm.s32 $0x0;
	[dreg:$0x3] =	wrdreg s24  }
0x14: {  	[dreg:$0x4] =	wrdreg s25;
	s24 =	simm.s32 $0x2;
	s25 =	simm.s32 $0x3  }
.LBB2_1:
0x15: {  	s1 =	rddreg [dreg:$0x3]  }
0x16: {  	[tilespmem:s3], [sflag:$0x9] =	stream.linear.gather [hbm4b:s1+s3], $0xE10, $0x38;
	[tilespmem:$0x5E10] =	vst v63  }
0x17: {  	_ =	swait.ge [sflag:s15], $0xE10  }
0x18: {  	[sflag:s15] =	ssyncset.done $0x0  }
0x19: {  	[sflag:s15] =	ssyncadd.s32 $0xFFFFF1F0  }
0x1a: {  	[tilespmem:s17], [sflag:$0x1] =	stream.indirect.gather [hbm4b:s2+s16], $0x40, s3, s16, $0xb8;
	[tilespmem:$0x5E10] =	vst v63  }
0x1b: {  	_ = 	snop  }
0x1c: {  	[tilespmem:s18], [sflag:$0x2] =	stream.indirect.gather [hbm4b:s2+s16], $0x40, s16, s16, $0xb8;
	[tilespmem:$0x5E10] =	vst v63  }
0x1d: {  	s21 =	simm.s32 $0xA0  }
0x1e: {  	[tilespmem:s20], [sflag:$0x3] =	stream.indirect.gather [hbm4b:s2+s16], $0x40, s21, s16, $0xb8;
	[tilespmem:$0x5E10] =	vst v63  }
0x1f: {  	s4 =	simm.s32 $0xF0  }
0x20: {  	[tilespmem:s22], [sflag:$0x4] =	stream.indirect.gather [hbm4b:s2+s16], $0x40, s4, s16, $0xb8;
	[tilespmem:$0x5E10] =	vst v63  }
0x21: {  	_ =	swait.ge [sflag:s23], $0x1400  }
0x22: {  	[sflag:s23] =	ssyncset.done $0x0  }
0x23: {  	s5 =	sadd.s32 $0x0, s14;
	[sflag:s23] =	ssyncadd.s32 $0xFFFFEC00  }
0x24: {  	[hbm4b:s5+s3] =	stream.linear.scatter [tilespmem:s17], [sflag:$0x5], $0x1400, $0x38;
	[tilespmem:$0x5E10] =	vst v63  }
0x25: {  	_ =	swait.ge [sflag:s24], $0x1400  }
0x26: {  	[sflag:s24] =	ssyncset.done $0x0  }
0x27: {  	s19 =	sadd.s32 $0x0, s13;
	[sflag:s24] =	ssyncadd.s32 $0xFFFFEC00  }
0x28: {  	[hbm4b:s19+s3] =	stream.linear.scatter [tilespmem:s18], [sflag:$0x6], $0x1400, $0x38;
	[tilespmem:$0x5E10] =	vst v63  }
0x29: {  	_ =	swait.ge [sflag:s25], $0x1400  }
0x2a: {  	[sflag:s25] =	ssyncset.done $0x0  }
0x2b: {  	s21 =	sadd.s32 $0x0, s12;
	[sflag:s25] =	ssyncadd.s32 $0xFFFFEC00  }
0x2c: {  	[hbm4b:s21+s3] =	stream.linear.scatter [tilespmem:s20], [sflag:$0x7], $0x1400, $0x38;
	[tilespmem:$0x5E10] =	vst v63  }
0x2d: {  	_ =	swait.ge [sflag:s26], $0x1400  }
0x2e: {  	[sflag:s26] =	ssyncset.done $0x0  }
0x2f: {  	s4 =	sadd.s32 $0x0, s11;
	[sflag:s26] =	ssyncadd.s32 $0xFFFFEC00  }
0x30: {  	[hbm4b:s4+s3] =	stream.linear.scatter [tilespmem:s22], [sflag:$0x8], $0x1400, $0x38;
	[tilespmem:$0x5E10] =	vst v63  }
0x31: {  	_ =	swait.ge [sflag:s28], $0x1400  }
0x32: {  	[sflag:s28] =	ssyncset.done $0x0  }
0x33: {  	s5 =	simm.s32 $0x140;
	[sflag:s28] =	ssyncadd.s32 $0xFFFFEC00  }
0x34: {  	[tilespmem:s17], [sflag:$0x1] =	stream.indirect.gather [hbm4b:s2+s16], $0x40, s5, s16, $0xb8;
	[tilespmem:$0x5E10] =	vst v63  }
0x35: {  	_ =	swait.ge [sflag:s29], $0x1400  }
0x36: {  	[sflag:s29] =	ssyncset.done $0x0  }
0x37: {  	s19 =	simm.s32 $0x190;
	[sflag:s29] =	ssyncadd.s32 $0xFFFFEC00  }
0x38: {  	[tilespmem:s18], [sflag:$0x2] =	stream.indirect.gather [hbm4b:s2+s16], $0x40, s19, s16, $0xb8;
	[tilespmem:$0x5E10] =	vst v63  }
0x39: {  	_ =	swait.ge [sflag:s30], $0x1400  }
0x3a: {  	[sflag:s30] =	ssyncset.done $0x0  }
0x3b: {  	s21 =	simm.s32 $0x1E0;
	[sflag:s30] =	ssyncadd.s32 $0xFFFFEC00  }
0x3c: {  	[tilespmem:s20], [sflag:$0x3] =	stream.indirect.gather [hbm4b:s2+s16], $0x40, s21, s16, $0xb8;
	[tilespmem:$0x5E10] =	vst v63  }
0x3d: {  	_ =	swait.ge [sflag:s31], $0x1400  }
0x3e: {  	s1 =	simm.s32 $0x370;
	[sflag:s31] =	ssyncset.done $0x0  }
0x3f: {  	s19 =	simm.s32 $0x230;
	s21 =	simm.s32 $0xA00;
	[sflag:s31] =	ssyncadd.s32 $0xFFFFEC00  }
.LBB2_2:
0x40: {  	[tilespmem:s22], [sflag:$0x4] =	stream.indirect.gather [hbm4b:s2+s16], $0x40, s19, s16, $0xb8;
	[tilespmem:$0x5E10] =	vst v63  }
0x41: {  	s4 =	smov.u32 s21;
	s19 =	smov.u32 s1  }
0x42: {  	p0 =	sne.s32 s21, $0x5A00;
	s21 =	sadd.s32 $0xA00, s21;
	_ =	swait.ge [sflag:s23], $0x1400  }
0x43: {  	[sflag:s23] =	ssyncset.done $0x0  }
0x44: {  	s5 =	sadd.s32 s4, s14;
	[sflag:s23] =	ssyncadd.s32 $0xFFFFEC00  }
0x45: {  	[hbm4b:s5+s3] =	stream.linear.scatter [tilespmem:s17], [sflag:$0x5], $0x1400, $0x38;
	[tilespmem:$0x5E10] =	vst v63  }
0x46: {  	_ =	swait.ge [sflag:s24], $0x1400  }
0x47: {  	[sflag:s24] =	ssyncset.done $0x0  }
0x48: {  	s5 =	sadd.s32 s4, s13;
	[sflag:s24] =	ssyncadd.s32 $0xFFFFEC00  }
0x49: {  	[hbm4b:s5+s3] =	stream.linear.scatter [tilespmem:s18], [sflag:$0x6], $0x1400, $0x38;
	[tilespmem:$0x5E10] =	vst v63  }
0x4a: {  	_ =	swait.ge [sflag:s25], $0x1400  }
0x4b: {  	[sflag:s25] =	ssyncset.done $0x0  }
0x4c: {  	s5 =	sadd.s32 s4, s12;
	[sflag:s25] =	ssyncadd.s32 $0xFFFFEC00  }
0x4d: {  	[hbm4b:s5+s3] =	stream.linear.scatter [tilespmem:s20], [sflag:$0x7], $0x1400, $0x38;
	[tilespmem:$0x5E10] =	vst v63  }
0x4e: {  	_ =	swait.ge [sflag:s26], $0x1400  }
0x4f: {  	[sflag:s26] =	ssyncset.done $0x0  }
0x50: {  	s4 =	sadd.s32 s4, s11;
	[sflag:s26] =	ssyncadd.s32 $0xFFFFEC00  }
0x51: {  	[hbm4b:s4+s3] =	stream.linear.scatter [tilespmem:s22], [sflag:$0x8], $0x1400, $0x38;
	[tilespmem:$0x5E10] =	vst v63  }
0x52: {  	_ =	swait.ge [sflag:s28], $0x1400  }
0x53: {  	[sflag:s28] =	ssyncset.done $0x0  }
0x54: {  	s4 =	sadd.s32 $0xFFFFFF10, s1;
	[sflag:s28] =	ssyncadd.s32 $0xFFFFEC00  }
0x55: {  	[tilespmem:s17], [sflag:$0x1] =	stream.indirect.gather [hbm4b:s2+s16], $0x40, s4, s16, $0xb8;
	[tilespmem:$0x5E10] =	vst v63  }
0x56: {  	_ =	swait.ge [sflag:s29], $0x1400  }
0x57: {  	[sflag:s29] =	ssyncset.done $0x0  }
0x58: {  	s4 =	sadd.s32 $0xFFFFFF60, s1;
	[sflag:s29] =	ssyncadd.s32 $0xFFFFEC00  }
0x59: {  	[tilespmem:s18], [sflag:$0x2] =	stream.indirect.gather [hbm4b:s2+s16], $0x40, s4, s16, $0xb8;
	[tilespmem:$0x5E10] =	vst v63  }
0x5a: {  	_ =	swait.ge [sflag:s30], $0x1400  }
0x5b: {  	[sflag:s30] =	ssyncset.done $0x0  }
.Ltmp0:
0x5c: {  	s4 =	sadd.s32 $0xFFFFFFB0, s1;
	[sflag:s30] =	ssyncadd.s32 $0xFFFFEC00;
	(pc) =	sbr.rel @p0 .LBB2_2-.Ltmp0, $4  }
0x5d: {  	[tilespmem:s20], [sflag:$0x3] =	stream.indirect.gather [hbm4b:s2+s16], $0x40, s4, s16, $0xb8;
	[tilespmem:$0x5E10] =	vst v63  }
0x5e: {  	_ =	swait.ge [sflag:s31], $0x1400  }
0x5f: {  	[sflag:s31] =	ssyncset.done $0x0  }
0x60: {  	s1 =	sadd.s32 $0x140, s1;
	[sflag:s31] =	ssyncadd.s32 $0xFFFFEC00  }
0x61: {  	[tilespmem:s22], [sflag:$0x4] =	stream.indirect.gather [hbm4b:s2+s16], $0x40, s19, s16, $0xb8;
	[tilespmem:$0x5E10] =	vst v63  }
0x62: {  	_ =	swait.ge [sflag:s23], $0x1400  }
0x63: {  	[sflag:s23] =	ssyncset.done $0x0  }
0x64: {  	[sflag:s23] =	ssyncadd.s32 $0xFFFFEC00  }
0x65: {  	[hbm4b:s7+s3] =	stream.linear.scatter [tilespmem:s17], [sflag:$0x5], $0x1400, $0x38;
	[tilespmem:$0x5E10] =	vst v63  }
0x66: {  	_ =	swait.ge [sflag:s24], $0x1400  }
0x67: {  	[sflag:s24] =	ssyncset.done $0x0  }
0x68: {  	[sflag:s24] =	ssyncadd.s32 $0xFFFFEC00  }
0x69: {  	[hbm4b:s8+s3] =	stream.linear.scatter [tilespmem:s18], [sflag:$0x6], $0x1400, $0x38;
	[tilespmem:$0x5E10] =	vst v63  }
0x6a: {  	_ =	swait.ge [sflag:s25], $0x1400  }
0x6b: {  	[sflag:s25] =	ssyncset.done $0x0  }
0x6c: {  	[sflag:s25] =	ssyncadd.s32 $0xFFFFEC00  }
0x6d: {  	[hbm4b:s9+s3] =	stream.linear.scatter [tilespmem:s20], [sflag:$0x7], $0x1400, $0x38;
	[tilespmem:$0x5E10] =	vst v63  }
0x6e: {  	_ =	swait.ge [sflag:s26], $0x1400  }
0x6f: {  	[sflag:s26] =	ssyncset.done $0x0  }
0x70: {  	[sflag:s26] =	ssyncadd.s32 $0xFFFFEC00  }
0x71: {  	[hbm4b:s10+s3] =	stream.linear.scatter [tilespmem:s22], [sflag:$0x8], $0x1400, $0x38;
	[tilespmem:$0x5E10] =	vst v63  }
0x72: {  	_ =	swait.ge [sflag:s28], $0x1400  }
0x73: {  	[sflag:s28] =	ssyncset.done $0x0  }
0x74: {  	s1 =	simm.s32 $0xDC0;
	[sflag:s28] =	ssyncadd.s32 $0xFFFFEC00  }
0x75: {  	[tilespmem:s17], [sflag:$0x1] =	stream.indirect.gather [hbm4b:s2+s16], $0x40, s1, s16, $0xb8;
	[tilespmem:$0x5E10] =	vst v63  }
0x76: {  	_ =	swait.ge [sflag:s23], $0x1400  }
0x77: {  	[sflag:s23] =	ssyncset.done $0x0  }
0x78: {  	s21 =	rddreg [dreg:$0x4];
	[sflag:s23] =	ssyncadd.s32 $0xFFFFEC00  }
0x79: {  	[hbm4b:s21+s3] =	stream.linear.scatter [tilespmem:s17], [sflag:$0x5], $0x1400, $0x38;
	[tilespmem:$0x5E10] =	vst v63  }
0x7a: {  	_ =	swait.ge [sflag:s28], $0x1400  }
0x7b: {  	[sflag:s28] =	ssyncset.done $0x0  }
0x7c: {  	[sflag:s28] =	ssyncadd.s32 $0xFFFFEC00  }
0x7d: {  	_ =	swait.ge [sflag:s29], $0x1400  }
0x7e: {  	[sflag:s29] =	ssyncset.done $0x0  }
0x7f: {  	s0 =	sadd.s32 $0x1, s0;
	[sflag:s29] =	ssyncadd.s32 $0xFFFFEC00  }
0x80: {  	p0 =	sne.s32 s0, s6;
	_ =	swait.ge [sflag:s30], $0x1400  }
.Ltmp1:
0x81: {  	[sflag:s30] =	ssyncset.done $0x0;
	(pc) =	sbr.rel @p0 .LBB2_1-.Ltmp1, $4  }
0x82: {  	[sflag:s30] =	ssyncadd.s32 $0xFFFFEC00  }
0x83: {  	_ =	swait.ge [sflag:s31], $0x1400  }
0x84: {  	[sflag:s31] =	ssyncset.done $0x0  }
0x85: {  	[sflag:s31] =	ssyncadd.s32 $0xFFFFEC00  }
0x86: {  	_ =	sfence.sel $0x180000  }
0x87: {  	[bflag:$0x0] =	sbarrier.arrive $0xFFFF  }
0x88: {  	_ =	strace $0x9000004A  }
0x89: {  	s0 =	stileid.u32;
	[bflag:$0x2] =	sbarrier.arrive $0xFFFF  }
0x8a: {  	p0 =	sne.s32 s0, $0x0;
	s0 =	rddreg [dreg:$0x2]  }
0x8b: {  	s0 =	sadd.s32 @!p0 $0x100000, s0  }
0x8c: {  	[sflag:s0] =	ssyncadd.tile.s32 @!p0 $0x1;
	_ =	shalt  }
.Lfunc_end2:
_tile_overlayer_lowered:
.L_overlay_start_2:
0x8d: {  	(tag) =	ssettag $0x2  }
0x8e: {  	s0 =	rddreg [dreg:$0x0];
	s2 =	stileid.u32  }
0x8f: {  	s1 =	rddreg [dreg:$0x1];
	p0 =	sne.s32 s2, $0x0  }
0x90: {  	s3 =	rddreg [dreg:$0x2];
	[bflag:$0x3] =	sbarrier.arrive $0xFFFF;
	s2 =	simm.s32 @!p0 $0x1C0A  }
0x91: {  	[timem:s3], [sflag:s2] =	dma.local @!p0 [hbm:s0], s1  }
0x92: {  	s0 =	simm.s32 @!p0 $0xA  }
0x93: {  	_ =	swait.ge @!p0 [sflag:s0], s1  }
0x94: {  	s1 =	ssub.s32 @!p0 $0x0, s1;
	[sflag:s0] =	ssyncset.done @!p0 $0x0  }
0x95: {  	[sflag:s0] =	ssyncadd.s32 @!p0 s1  }
0x96: {  	[bflag:$0x3] =	sbarrier.arrive $0xFFFF  }
0x97: {  	_ =	shalt  }

</sc_bundles>
